<compile_context>
chip_gen: v7x
topology: tpu7x:2x2x1
jax: 0.10.2.dev20260603
libtpu: 0.0.44.dev20260713+nightly
codegen_flags: <defaults>
</compile_context>

<pallas_src>
import functools

import jax
import jax.numpy as jnp
from jax import lax
from jax.experimental import pallas as pl
from jax.experimental.pallas import tpu as pltpu
from jax.experimental.pallas import tpu_sc as plsc

N = 10000
E = 320000
D_IN = 128
HID = 128
OUT = 64

NC = 2
NS = 16
NW = NC * NS
CHUNK = 128
SLAB = 8
NSLAB = 10
CPT = SLAB * NSLAB
NCHUNK = NW * CPT
E_PAD = NCHUNK * CHUNK - E
N_PAD = 10240
ROWS_PER_TILE = N_PAD // NS

_mesh = plsc.VectorSubcoreMesh(core_axis_name="c", subcore_axis_name="s")


def _zero_fill_vmem(buf, rows, width):
    zero16 = jnp.zeros((16,), jnp.float32)

    @pl.loop(0, rows)
    def _(i):
        @pl.loop(0, width // 16)
        def _(j):
            buf[i, pl.ds(j * 16, 16)] = zero16


def _zero_acc_slice(zeros_v, acc, s):
    @pl.loop(0, ROWS_PER_TILE // 16)
    def _(j):
        pltpu.sync_copy(zeros_v, acc.at[pl.ds(s * ROWS_PER_TILE + j * 16, 16)])


@functools.partial(
    pl.kernel,
    out_type=jax.ShapeDtypeStruct((NC, N_PAD, 16), jnp.float32),
    mesh=_mesh,
    scratch_types=[
        pltpu.VMEM((CPT, CHUNK), jnp.int32),
        pltpu.VMEM((CHUNK, 16), jnp.float32),
        pltpu.VMEM((16, 16), jnp.float32),
        pltpu.VMEM_SHARED((N_PAD, 16), jnp.float32),
    ],
)
def _deg_kernel(dst_hbm, out_hbm, dst_v, ones_v, zeros_v, acc):
    c = lax.axis_index("c")
    s = lax.axis_index("s")
    w = s * NC + c

    one16 = jnp.ones((16,), jnp.float32)

    @pl.loop(0, CHUNK)
    def _(i):
        ones_v[i, pl.ds(0, 16)] = one16

    _zero_fill_vmem(zeros_v, 16, 16)
    _zero_acc_slice(zeros_v, acc, s)
    pltpu.sync_copy(dst_hbm.at[pl.ds(w * CPT, CPT)], dst_v)

    plsc.subcore_barrier()

    @pl.loop(0, CPT)
    def _(j):
        pltpu.sync_copy(ones_v, acc.at[dst_v.at[j]], add=True)

    plsc.subcore_barrier()

    pltpu.sync_copy(
        acc.at[pl.ds(s * ROWS_PER_TILE, ROWS_PER_TILE)],
        out_hbm.at[c, pl.ds(s * ROWS_PER_TILE, ROWS_PER_TILE)],
    )


@functools.partial(
    pl.kernel,
    out_type=jax.ShapeDtypeStruct((NC, N_PAD, HID), jnp.float32),
    mesh=_mesh,
    scratch_types=[
        pltpu.VMEM((SLAB, CHUNK), jnp.int32),
        pltpu.VMEM((SLAB, CHUNK), jnp.int32),
        pltpu.VMEM((CHUNK, HID), jnp.float32),
        pltpu.VMEM((16, HID), jnp.float32),
        pltpu.VMEM_SHARED((N_PAD, HID), jnp.float32),
    ],
)
def _scatter_kernel(src_hbm, dst_hbm, y_hbm, out_hbm,
                    src_v, dst_v, rows_v, zeros_v, acc):
    c = lax.axis_index("c")
    s = lax.axis_index("s")
    w = s * NC + c
    base = w * CPT

    _zero_fill_vmem(zeros_v, 16, HID)
    _zero_acc_slice(zeros_v, acc, s)

    plsc.subcore_barrier()

    @pl.loop(0, NSLAB)
    def _(k):
        pltpu.sync_copy(src_hbm.at[pl.ds(base + k * SLAB, SLAB)], src_v)
        pltpu.sync_copy(dst_hbm.at[pl.ds(base + k * SLAB, SLAB)], dst_v)

        @pl.loop(0, SLAB)
        def _(j):
            pltpu.sync_copy(y_hbm.at[src_v.at[j]], rows_v)
            pltpu.sync_copy(rows_v, acc.at[dst_v.at[j]], add=True)

    plsc.subcore_barrier()

    pltpu.sync_copy(
        acc.at[pl.ds(s * ROWS_PER_TILE, ROWS_PER_TILE)],
        out_hbm.at[c, pl.ds(s * ROWS_PER_TILE, ROWS_PER_TILE)],
    )


def _dinv_from_deg(degp_ref):
    deg = degp_ref[0, :N, 0:1] + degp_ref[1, :N, 0:1] + 1.0
    return lax.rsqrt(deg)


def _tc0_body(x_ref, w1_ref, xw_ref):
    xw_ref[...] = jnp.dot(x_ref[...], w1_ref[...],
                          preferred_element_type=jnp.float32)


def _tc1_body(xw_ref, degp_ref, y_ref):
    y_ref[...] = xw_ref[...] * _dinv_from_deg(degp_ref)


def _tc2_body(y_ref, aggp_ref, degp_ref, w2_ref, b1_ref, y2_ref):
    dinv = _dinv_from_deg(degp_ref)
    z = aggp_ref[0, :N, :] + aggp_ref[1, :N, :] + y_ref[...]
    h = jnp.maximum(dinv * z + b1_ref[...], 0.0)
    y2_ref[...] = jnp.dot(h, w2_ref[...], preferred_element_type=jnp.float32) * dinv


def _tc3_body(y_ref, aggp_ref, degp_ref, w3_ref, b2_ref, b3_ref, out_ref):
    dinv = _dinv_from_deg(degp_ref)
    z = aggp_ref[0, :N, :] + aggp_ref[1, :N, :] + y_ref[...]
    h = jnp.maximum(dinv * z + b2_ref[...], 0.0)
    logits = jnp.dot(h, w3_ref[...], preferred_element_type=jnp.float32) + b3_ref[...]
    m = jnp.max(logits, axis=1, keepdims=True)
    e = jnp.exp(logits - m)
    lse = jnp.log(jnp.sum(e, axis=1, keepdims=True)) + m
    out_ref[...] = logits - lse


def kernel(x, edge_index, W1, b1, W2, b2, W3, b3):
    pad_iota = jnp.arange(E_PAD, dtype=jnp.int32)
    pad_src = pad_iota % N
    pad_dst = N + pad_iota % (N_PAD - N)
    src = jnp.concatenate([edge_index[0], pad_src]).reshape(NCHUNK, CHUNK)
    dst = jnp.concatenate([edge_index[1], pad_dst]).reshape(NCHUNK, CHUNK)

    degp = _deg_kernel(dst)
    xw1 = pl.pallas_call(
        _tc0_body,
        out_shape=jax.ShapeDtypeStruct((N, D_IN), jnp.float32),
    )(x.astype(jnp.float32), W1)

    y1 = pl.pallas_call(
        _tc1_body,
        out_shape=jax.ShapeDtypeStruct((N, D_IN), jnp.float32),
    )(xw1, degp)

    agg1 = _scatter_kernel(src, dst, y1)

    y2 = pl.pallas_call(
        _tc2_body,
        out_shape=jax.ShapeDtypeStruct((N, HID), jnp.float32),
    )(y1, agg1, degp, W2, b1.reshape(1, HID))

    agg2 = _scatter_kernel(src, dst, y2)

    out = pl.pallas_call(
        _tc3_body,
        out_shape=jax.ShapeDtypeStruct((N, OUT), jnp.float32),
    )(y2, agg2, degp, W3, b2.reshape(1, HID), b3.reshape(1, OUT))

    return out

# --- scband reference (transcript-rebuilt; emitter-appended) ---
"""Pipeline reference for scband-gnn-9775345566049 (READ-ONLY COPY).

The authoritative reference and input builder live on the scoring server;
editing this copy changes nothing except your own understanding.
"""

import jax, jax.numpy as jnp
import numpy as np

N = 10000
E = 320000
D_IN = 128
HID = 128
OUT = 64


def setup_inputs(seed: int = 0) -> dict:
    key = jax.random.key(seed)
    k1, k2, k3, k4, k5 = jax.random.split(key, 5)
    x = jax.random.normal(k1, (N, D_IN), dtype=jnp.float32)
    edge_index = jax.random.randint(k2, (2, E), 0, N, dtype=jnp.int32)
    # GCNConv weights (glorot-ish) and Linear head
    W1 = jax.random.normal(k3, (D_IN, HID), dtype=jnp.float32) * (1.0 / np.sqrt(D_IN))
    b1 = jnp.zeros((HID,), dtype=jnp.float32)
    W2 = jax.random.normal(k4, (HID, HID), dtype=jnp.float32) * (1.0 / np.sqrt(HID))
    b2 = jnp.zeros((HID,), dtype=jnp.float32)
    W3 = jax.random.normal(k5, (HID, OUT), dtype=jnp.float32) * (1.0 / np.sqrt(HID))
    b3 = jnp.zeros((OUT,), dtype=jnp.float32)
    return {"x": x, "edge_index": edge_index, "W1": W1, "b1": b1, "W2": W2, "b2": b2, "W3": W3, "b3": b3}


def _gcn_layer(x, src, dst, W, b):
    n = x.shape[0]
    loop = jnp.arange(n, dtype=src.dtype)
    s = jnp.concatenate([src, loop])
    d = jnp.concatenate([dst, loop])
    deg = jax.ops.segment_sum(jnp.ones_like(s, dtype=x.dtype), d, num_segments=n)
    dinv = jnp.where(deg > 0, 1.0 / jnp.sqrt(deg), 0.0)
    norm = dinv[s] * dinv[d]
    xw = x @ W
    msg = xw[s] * norm[:, None]
    out = jax.ops.segment_sum(msg, d, num_segments=n)
    return out + b


def reference(x, edge_index, W1, b1, W2, b2, W3, b3):
    src = edge_index[0]
    dst = edge_index[1]
    h = _gcn_layer(x.astype(jnp.float32), src, dst, W1, b1)
    h = jax.nn.relu(h)
    # F.dropout(training=self.training): module in eval mode -> identity
    h = _gcn_layer(h, src, dst, W2, b2)
    h = jax.nn.relu(h)
    logits = h @ W3 + b3
    return jax.nn.log_softmax(logits, axis=1)

if __name__ == "__main__":
    import jax
    _d = setup_inputs()
    print(jax.jit(kernel)(*tuple(_d.values())))

</pallas_src>

<mosaic_0001>
#map = affine_map<(d0, d1) -> (0, 0)>
#map1 = affine_map<(d0, d1) -> (0, 0, 0)>
module attributes {stable_mosaic.version = 14 : i64} {
  func.func @_deg_kernel(%arg0: i32, %arg1: i32, %arg2: memref<2560x128xi32, #tpu.memory_space<hbm>>, %arg3: memref<2x10240x16xf32, #tpu.memory_space<hbm>>, %arg4: memref<80x128xi32, #tpu.memory_space<vmem>>, %arg5: memref<128x16xf32, #tpu.memory_space<vmem>>, %arg6: memref<16x16xf32, #tpu.memory_space<vmem>>, %arg7: memref<10240x16xf32, #tpu.memory_space<vmem_shared>>) attributes {dimension_semantics = [#tpu.dimension_semantics<core_parallel>, #tpu.dimension_semantics<subcore_parallel>], iteration_bounds = array<i64: 2, 16>, scalar_prefetch = 0 : i64, scratch_operands = 4 : i64, tpu.core_type = #tpu.core_type<sc_vector_subcore>, window_params = [{transform_indices = #map}, {transform_indices = #map1}]} {
    %mul3A = arith.constant 2 : i32
    %mul3A_0 = arith.muli %arg1, %mul3A : i32
    %add3A = arith.addi %mul3A_0, %arg0 : i32
    %broadcast_in_dim3A = arith.constant 1.000000e+00 : f32
    %broadcast_in_dim3A_1 = vector.broadcast %broadcast_in_dim3A : f32 to vector<16xf32>
    %scan3A = arith.constant 0 : i32
    %scan3A_2 = arith.constant 128 : i32
    %scan3A_3 = arith.addi %scan3A, %scan3A_2 : i32
    %scan3A_4 = arith.constant 1 : i32
    scf.for %scan3A_30 = %scan3A to %scan3A_3 step %scan3A_4  : i32 {
      %mul3A_31 = arith.constant 1 : i32
      %mul3A_32 = arith.muli %scan3A_30, %mul3A_31 : i32
      %add3A_33 = arith.constant 0 : i32
      %add3A_34 = arith.addi %add3A_33, %mul3A_32 : i32
      %swap3A = arith.index_cast %add3A_34 : i32 to index
      %swap3A_35 = arith.constant 0 : index
      %swap3A_36 = tpu.vector_load %arg5[%swap3A, %swap3A_35] {strides = array<i32>} : memref<128x16xf32, #tpu.memory_space<vmem>>, vector<1x16xf32>,
      %swap3A_37 = vector.shape_cast %swap3A_36 : vector<1x16xf32> to vector<16xf32>
      %swap3A_38 = vector.shape_cast %broadcast_in_dim3A_1 : vector<16xf32> to vector<1x16xf32>
      tpu.vector_store %arg5[%swap3A, %swap3A_35], %swap3A_38 {strides = array<i32>} : memref<128x16xf32, #tpu.memory_space<vmem>>, vector<1x16xf32>,
    }
    %scan3A_5 = arith.constant 128 : i32
    %broadcast_in_dim3A_6 = arith.constant 0.000000e+00 : f32
    %broadcast_in_dim3A_7 = vector.broadcast %broadcast_in_dim3A_6 : f32 to vector<16xf32>
    %scan3A_8 = arith.constant 0 : i32
    %scan3A_9 = arith.constant 16 : i32
    %scan3A_10 = arith.addi %scan3A_8, %scan3A_9 : i32
    %scan3A_11 = arith.constant 1 : i32
    scf.for %scan3A_30 = %scan3A_8 to %scan3A_10 step %scan3A_11  : i32 {
      %mul3A_31 = arith.constant 1 : i32
      %mul3A_32 = arith.muli %scan3A_30, %mul3A_31 : i32
      %add3A_33 = arith.constant 0 : i32
      %add3A_34 = arith.addi %add3A_33, %mul3A_32 : i32
      %scan3A_35 = arith.constant 0 : i32
      %mul3A_36 = arith.constant 1 : i32
      %mul3A_37 = arith.muli %scan3A_35, %mul3A_36 : i32
      %add3A_38 = arith.constant 0 : i32
      %add3A_39 = arith.addi %add3A_38, %mul3A_37 : i32
      %mul3A_40 = arith.constant 16 : i32
      %mul3A_41 = arith.muli %add3A_39, %mul3A_40 : i32
      %swap3A = arith.index_cast %add3A_34 : i32 to index
      %swap3A_42 = arith.index_cast %mul3A_41 : i32 to index
      %swap3A_43 = tpu.vector_load %arg6[%swap3A, %swap3A_42] {strides = array<i32>} : memref<16x16xf32, #tpu.memory_space<vmem>>, vector<1x16xf32>,
      %swap3A_44 = vector.shape_cast %swap3A_43 : vector<1x16xf32> to vector<16xf32>
      %swap3A_45 = vector.shape_cast %broadcast_in_dim3A_7 : vector<16xf32> to vector<1x16xf32>
      tpu.vector_store %arg6[%swap3A, %swap3A_42], %swap3A_45 {strides = array<i32>} : memref<16x16xf32, #tpu.memory_space<vmem>>, vector<1x16xf32>,
      %scan3A_46 = arith.constant 1 : i32
    }
    %scan3A_12 = arith.constant 16 : i32
    %scan3A_13 = arith.constant 0 : i32
    %scan3A_14 = arith.constant 40 : i32
    %scan3A_15 = arith.addi %scan3A_13, %scan3A_14 : i32
    %scan3A_16 = arith.constant 1 : i32
    scf.for %scan3A_30 = %scan3A_13 to %scan3A_15 step %scan3A_16  : i32 {
      %mul3A_31 = arith.constant 1 : i32
      %mul3A_32 = arith.muli %scan3A_30, %mul3A_31 : i32
      %add3A_33 = arith.constant 0 : i32
      %add3A_34 = arith.addi %add3A_33, %mul3A_32 : i32
      %mul3A_35 = arith.constant 640 : i32
      %mul3A_36 = arith.muli %arg1, %mul3A_35 : i32
      %mul3A_37 = arith.constant 16 : i32
      %mul3A_38 = arith.muli %add3A_34, %mul3A_37 : i32
      %add3A_39 = arith.addi %mul3A_36, %mul3A_38 : i32
      "tpu.region"() ({
        %run_scoped3A = tpu.sem_alloc : memref<!tpu.dma_semaphore, #tpu.memory_space<semaphore_mem>>
        %dma_start3A = arith.constant 0 : i32
        %dma_start3A_40 = tpu.memref_slice %arg7[%add3A_39, %dma_start3A] : memref<10240x16xf32, #tpu.memory_space<vmem_shared>> -> memref<16x16xf32, #tpu.memory_space<vmem_shared>>
        %dma_start3A_41 = arith.constant 0 : i32
        %dma_start3A_42 = tpu.memref_slice %arg7[%add3A_39, %dma_start3A_41] : memref<10240x16xf32, #tpu.memory_space<vmem_shared>> -> memref<16x16xf32, #tpu.memory_space<vmem_shared>>
        tpu.enqueue_dma source(%arg6 : memref<16x16xf32, #tpu.memory_space<vmem>>) target(%dma_start3A_42 : memref<16x16xf32, #tpu.memory_space<vmem_shared>>) target_semaphore(%run_scoped3A : memref<!tpu.dma_semaphore, #tpu.memory_space<semaphore_mem>>)
        %dma_wait3A = arith.constant 0 : i32
        %dma_wait3A_43 = tpu.memref_slice %arg7[%add3A_39, %dma_wait3A] : memref<10240x16xf32, #tpu.memory_space<vmem_shared>> -> memref<16x16xf32, #tpu.memory_space<vmem_shared>>
        %dma_wait3A_44 = arith.constant 0 : i32
        %dma_wait3A_45 = tpu.memref_slice %arg7[%add3A_39, %dma_wait3A_44] : memref<10240x16xf32, #tpu.memory_space<vmem_shared>> -> memref<16x16xf32, #tpu.memory_space<vmem_shared>>
        tpu.wait_dma2 semaphore(%run_scoped3A : memref<!tpu.dma_semaphore, #tpu.memory_space<semaphore_mem>>) src(%arg6 : memref<16x16xf32, #tpu.memory_space<vmem>>) dst(%dma_wait3A_45 : memref<16x16xf32, #tpu.memory_space<vmem_shared>>)
        tpu.yield
      }) : () -> ()
    }
    %scan3A_17 = arith.constant 40 : i32
    %mul3A_18 = arith.constant 80 : i32
    %mul3A_19 = arith.muli %add3A, %mul3A_18 : i32
    "tpu.region"() ({
      %run_scoped3A = tpu.sem_alloc : memref<!tpu.dma_semaphore, #tpu.memory_space<semaphore_mem>>
      %dma_start3A = arith.constant 0 : i32
      %dma_start3A_30 = tpu.memref_slice %arg2[%mul3A_19, %dma_start3A] : memref<2560x128xi32, #tpu.memory_space<hbm>> -> memref<80x128xi32, #tpu.memory_space<hbm>>
      %dma_start3A_31 = arith.constant 0 : i32
      %dma_start3A_32 = tpu.memref_slice %arg2[%mul3A_19, %dma_start3A_31] : memref<2560x128xi32, #tpu.memory_space<hbm>> -> memref<80x128xi32, #tpu.memory_space<hbm>>
      tpu.enqueue_dma source(%dma_start3A_32 : memref<80x128xi32, #tpu.memory_space<hbm>>) target(%arg4 : memref<80x128xi32, #tpu.memory_space<vmem>>) target_semaphore(%run_scoped3A : memref<!tpu.dma_semaphore, #tpu.memory_space<semaphore_mem>>)
      %dma_wait3A = arith.constant 0 : i32
      %dma_wait3A_33 = tpu.memref_slice %arg2[%mul3A_19, %dma_wait3A] : memref<2560x128xi32, #tpu.memory_space<hbm>> -> memref<80x128xi32, #tpu.memory_space<hbm>>
      %dma_wait3A_34 = arith.constant 0 : i32
      %dma_wait3A_35 = tpu.memref_slice %arg2[%mul3A_19, %dma_wait3A_34] : memref<2560x128xi32, #tpu.memory_space<hbm>> -> memref<80x128xi32, #tpu.memory_space<hbm>>
      tpu.wait_dma2 semaphore(%run_scoped3A : memref<!tpu.dma_semaphore, #tpu.memory_space<semaphore_mem>>) src(%dma_wait3A_35 : memref<80x128xi32, #tpu.memory_space<hbm>>) dst(%arg4 : memref<80x128xi32, #tpu.memory_space<vmem>>)
      tpu.yield
    }) : () -> ()
    %barrier3A = arith.constant 0 : index
    tpu.barrier barrier_id(%barrier3A)
    %scan3A_20 = arith.constant 0 : i32
    %scan3A_21 = arith.constant 80 : i32
    %scan3A_22 = arith.addi %scan3A_20, %scan3A_21 : i32
    %scan3A_23 = arith.constant 1 : i32
    scf.for %scan3A_30 = %scan3A_20 to %scan3A_22 step %scan3A_23  : i32 {
      %mul3A_31 = arith.constant 1 : i32
      %mul3A_32 = arith.muli %scan3A_30, %mul3A_31 : i32
      %add3A_33 = arith.constant 0 : i32
      %add3A_34 = arith.addi %add3A_33, %mul3A_32 : i32
      "tpu.region"() ({
        %run_scoped3A = tpu.sem_alloc : memref<!tpu.dma_semaphore, #tpu.memory_space<semaphore_mem>>
        %dma_start3A = arith.constant 0 : i32
        %dma_start3A_35 = tpu.memref_slice %arg4[%add3A_34, %dma_start3A] : memref<80x128xi32, #tpu.memory_space<vmem>> -> memref<1x128xi32, #tpu.memory_space<vmem>>
        %dma_start3A_36 = tpu.memref_squeeze %dma_start3A_35 : memref<1x128xi32, #tpu.memory_space<vmem>> -> memref<128xi32, #tpu.memory_space<vmem>>
        %dma_start3A_37 = arith.constant 0 : i32
        %dma_start3A_38 = arith.constant 0 : i32
        %dma_start3A_39 = tpu.memref_slice %arg7[%dma_start3A_37, %dma_start3A_38] : memref<10240x16xf32, #tpu.memory_space<vmem_shared>> -> memref<10240x16xf32, #tpu.memory_space<vmem_shared>>
        tpu.enqueue_indirect_dma source(%arg5 : memref<128x16xf32, #tpu.memory_space<vmem>>) target(%dma_start3A_39 : memref<10240x16xf32, #tpu.memory_space<vmem_shared>>) offsets(%dma_start3A_36 : memref<128xi32, #tpu.memory_space<vmem>>) semaphore(%run_scoped3A : memref<!tpu.dma_semaphore, #tpu.memory_space<semaphore_mem>>) {add = true}
        %dma_wait3A = arith.constant 0 : i32
        %dma_wait3A_40 = tpu.memref_slice %arg4[%add3A_34, %dma_wait3A] : memref<80x128xi32, #tpu.memory_space<vmem>> -> memref<1x128xi32, #tpu.memory_space<vmem>>
        %dma_wait3A_41 = tpu.memref_squeeze %dma_wait3A_40 : memref<1x128xi32, #tpu.memory_space<vmem>> -> memref<128xi32, #tpu.memory_space<vmem>>
        %dma_wait3A_42 = arith.constant 0 : i32
        %dma_wait3A_43 = arith.constant 0 : i32
        %dma_wait3A_44 = tpu.memref_slice %arg7[%dma_wait3A_42, %dma_wait3A_43] : memref<10240x16xf32, #tpu.memory_space<vmem_shared>> -> memref<10240x16xf32, #tpu.memory_space<vmem_shared>>
        tpu.wait_indirect_dma semaphore(%run_scoped3A : memref<!tpu.dma_semaphore, #tpu.memory_space<semaphore_mem>>) src(%arg5 : memref<128x16xf32, #tpu.memory_space<vmem>>) dst(%dma_wait3A_44 : memref<10240x16xf32, #tpu.memory_space<vmem_shared>>)
        tpu.yield
      }) : () -> ()
    }
    %scan3A_24 = arith.constant 80 : i32
    %barrier3A_25 = arith.constant 0 : index
    tpu.barrier barrier_id(%barrier3A_25)
    %mul3A_26 = arith.constant 640 : i32
    %mul3A_27 = arith.muli %arg1, %mul3A_26 : i32
    %mul3A_28 = arith.constant 640 : i32
    %mul3A_29 = arith.muli %arg1, %mul3A_28 : i32
    "tpu.region"() ({
      %run_scoped3A = tpu.sem_alloc : memref<!tpu.dma_semaphore, #tpu.memory_space<semaphore_mem>>
      %dma_start3A = arith.constant 0 : i32
      %dma_start3A_30 = tpu.memref_slice %arg3[%arg0, %mul3A_29, %dma_start3A] : memref<2x10240x16xf32, #tpu.memory_space<hbm>> -> memref<1x640x16xf32, #tpu.memory_space<hbm>>
      %dma_start3A_31 = tpu.memref_squeeze %dma_start3A_30 : memref<1x640x16xf32, #tpu.memory_space<hbm>> -> memref<640x16xf32, #tpu.memory_space<hbm>>
      %dma_start3A_32 = arith.constant 0 : i32
      %dma_start3A_33 = tpu.memref_slice %arg7[%mul3A_27, %dma_start3A_32] : memref<10240x16xf32, #tpu.memory_space<vmem_shared>> -> memref<640x16xf32, #tpu.memory_space<vmem_shared>>
      tpu.enqueue_dma source(%dma_start3A_33 : memref<640x16xf32, #tpu.memory_space<vmem_shared>>) target(%dma_start3A_31 : memref<640x16xf32, #tpu.memory_space<hbm>>) target_semaphore(%run_scoped3A : memref<!tpu.dma_semaphore, #tpu.memory_space<semaphore_mem>>)
      %dma_wait3A = arith.constant 0 : i32
      %dma_wait3A_34 = tpu.memref_slice %arg3[%arg0, %mul3A_29, %dma_wait3A] : memref<2x10240x16xf32, #tpu.memory_space<hbm>> -> memref<1x640x16xf32, #tpu.memory_space<hbm>>
      %dma_wait3A_35 = tpu.memref_squeeze %dma_wait3A_34 : memref<1x640x16xf32, #tpu.memory_space<hbm>> -> memref<640x16xf32, #tpu.memory_space<hbm>>
      %dma_wait3A_36 = arith.constant 0 : i32
      %dma_wait3A_37 = tpu.memref_slice %arg7[%mul3A_27, %dma_wait3A_36] : memref<10240x16xf32, #tpu.memory_space<vmem_shared>> -> memref<640x16xf32, #tpu.memory_space<vmem_shared>>
      tpu.wait_dma2 semaphore(%run_scoped3A : memref<!tpu.dma_semaphore, #tpu.memory_space<semaphore_mem>>) src(%dma_wait3A_37 : memref<640x16xf32, #tpu.memory_space<vmem_shared>>) dst(%dma_wait3A_35 : memref<640x16xf32, #tpu.memory_space<hbm>>)
      tpu.yield
    }) : () -> ()
    return
  }
}

#map = affine_map<(d0, d1) -> (0, 0)>
#map1 = affine_map<(d0, d1) -> (0, 0, 0)>
module attributes {stable_mosaic.version = 14 : i64} {
  func.func @_scatter_kernel(%arg0: i32, %arg1: i32, %arg2: memref<2560x128xi32, #tpu.memory_space<hbm>>, %arg3: memref<2560x128xi32, #tpu.memory_space<hbm>>, %arg4: memref<10000x128xf32, #tpu.memory_space<hbm>>, %arg5: memref<2x10240x128xf32, #tpu.memory_space<hbm>>, %arg6: memref<8x128xi32, #tpu.memory_space<vmem>>, %arg7: memref<8x128xi32, #tpu.memory_space<vmem>>, %arg8: memref<128x128xf32, #tpu.memory_space<vmem>>, %arg9: memref<16x128xf32, #tpu.memory_space<vmem>>, %arg10: memref<10240x128xf32, #tpu.memory_space<vmem_shared>>) attributes {dimension_semantics = [#tpu.dimension_semantics<core_parallel>, #tpu.dimension_semantics<subcore_parallel>], iteration_bounds = array<i64: 2, 16>, scalar_prefetch = 0 : i64, scratch_operands = 5 : i64, tpu.core_type = #tpu.core_type<sc_vector_subcore>, window_params = [{transform_indices = #map}, {transform_indices = #map}, {transform_indices = #map}, {transform_indices = #map1}]} {
    %mul3A = arith.constant 2 : i32
    %mul3A_0 = arith.muli %arg1, %mul3A : i32
    %add3A = arith.addi %mul3A_0, %arg0 : i32
    %mul3A_1 = arith.constant 80 : i32
    %mul3A_2 = arith.muli %add3A, %mul3A_1 : i32
    %broadcast_in_dim3A = arith.constant 0.000000e+00 : f32
    %broadcast_in_dim3A_3 = vector.broadcast %broadcast_in_dim3A : f32 to vector<16xf32>
    %scan3A = arith.constant 0 : i32
    %scan3A_4 = arith.constant 16 : i32
    %scan3A_5 = arith.addi %scan3A, %scan3A_4 : i32
    %scan3A_6 = arith.constant 1 : i32
    scf.for %scan3A_23 = %scan3A to %scan3A_5 step %scan3A_6  : i32 {
      %mul3A_24 = arith.constant 1 : i32
      %mul3A_25 = arith.muli %scan3A_23, %mul3A_24 : i32
      %add3A_26 = arith.constant 0 : i32
      %add3A_27 = arith.addi %add3A_26, %mul3A_25 : i32
      %scan3A_28 = arith.constant 0 : i32
      %scan3A_29 = arith.constant 8 : i32
      %scan3A_30 = arith.addi %scan3A_28, %scan3A_29 : i32
      %scan3A_31 = arith.constant 1 : i32
      scf.for %scan3A_33 = %scan3A_28 to %scan3A_30 step %scan3A_31  : i32 {
        %mul3A_34 = arith.constant 1 : i32
        %mul3A_35 = arith.muli %scan3A_33, %mul3A_34 : i32
        %add3A_36 = arith.constant 0 : i32
        %add3A_37 = arith.addi %add3A_36, %mul3A_35 : i32
        %mul3A_38 = arith.constant 16 : i32
        %mul3A_39 = arith.muli %add3A_37, %mul3A_38 : i32
        %swap3A = arith.index_cast %add3A_27 : i32 to index
        %swap3A_40 = arith.index_cast %mul3A_39 : i32 to index
        %swap3A_41 = tpu.vector_load %arg9[%swap3A, %swap3A_40] {strides = array<i32>} : memref<16x128xf32, #tpu.memory_space<vmem>>, vector<1x16xf32>,
        %swap3A_42 = vector.shape_cast %swap3A_41 : vector<1x16xf32> to vector<16xf32>
        %swap3A_43 = vector.shape_cast %broadcast_in_dim3A_3 : vector<16xf32> to vector<1x16xf32>
        tpu.vector_store %arg9[%swap3A, %swap3A_40], %swap3A_43 {strides = array<i32>} : memref<16x128xf32, #tpu.memory_space<vmem>>, vector<1x16xf32>,
      }
      %scan3A_32 = arith.constant 8 : i32
    }
    %scan3A_7 = arith.constant 16 : i32
    %scan3A_8 = arith.constant 0 : i32
    %scan3A_9 = arith.constant 40 : i32
    %scan3A_10 = arith.addi %scan3A_8, %scan3A_9 : i32
    %scan3A_11 = arith.constant 1 : i32
    scf.for %scan3A_23 = %scan3A_8 to %scan3A_10 step %scan3A_11  : i32 {
      %mul3A_24 = arith.constant 1 : i32
      %mul3A_25 = arith.muli %scan3A_23, %mul3A_24 : i32
      %add3A_26 = arith.constant 0 : i32
      %add3A_27 = arith.addi %add3A_26, %mul3A_25 : i32
      %mul3A_28 = arith.constant 640 : i32
      %mul3A_29 = arith.muli %arg1, %mul3A_28 : i32
      %mul3A_30 = arith.constant 16 : i32
      %mul3A_31 = arith.muli %add3A_27, %mul3A_30 : i32
      %add3A_32 = arith.addi %mul3A_29, %mul3A_31 : i32
      "tpu.region"() ({
        %run_scoped3A = tpu.sem_alloc : memref<!tpu.dma_semaphore, #tpu.memory_space<semaphore_mem>>
        %dma_start3A = arith.constant 0 : i32
        %dma_start3A_33 = tpu.memref_slice %arg10[%add3A_32, %dma_start3A] : memref<10240x128xf32, #tpu.memory_space<vmem_shared>> -> memref<16x128xf32, #tpu.memory_space<vmem_shared>>
        %dma_start3A_34 = arith.constant 0 : i32
        %dma_start3A_35 = tpu.memref_slice %arg10[%add3A_32, %dma_start3A_34] : memref<10240x128xf32, #tpu.memory_space<vmem_shared>> -> memref<16x128xf32, #tpu.memory_space<vmem_shared>>
        tpu.enqueue_dma source(%arg9 : memref<16x128xf32, #tpu.memory_space<vmem>>) target(%dma_start3A_35 : memref<16x128xf32, #tpu.memory_space<vmem_shared>>) target_semaphore(%run_scoped3A : memref<!tpu.dma_semaphore, #tpu.memory_space<semaphore_mem>>)
        %dma_wait3A = arith.constant 0 : i32
        %dma_wait3A_36 = tpu.memref_slice %arg10[%add3A_32, %dma_wait3A] : memref<10240x128xf32, #tpu.memory_space<vmem_shared>> -> memref<16x128xf32, #tpu.memory_space<vmem_shared>>
        %dma_wait3A_37 = arith.constant 0 : i32
        %dma_wait3A_38 = tpu.memref_slice %arg10[%add3A_32, %dma_wait3A_37] : memref<10240x128xf32, #tpu.memory_space<vmem_shared>> -> memref<16x128xf32, #tpu.memory_space<vmem_shared>>
        tpu.wait_dma2 semaphore(%run_scoped3A : memref<!tpu.dma_semaphore, #tpu.memory_space<semaphore_mem>>) src(%arg9 : memref<16x128xf32, #tpu.memory_space<vmem>>) dst(%dma_wait3A_38 : memref<16x128xf32, #tpu.memory_space<vmem_shared>>)
        tpu.yield
      }) : () -> ()
    }
    %scan3A_12 = arith.constant 40 : i32
    %barrier3A = arith.constant 0 : index
    tpu.barrier barrier_id(%barrier3A)
    %scan3A_13 = arith.constant 0 : i32
    %scan3A_14 = arith.constant 10 : i32
    %scan3A_15 = arith.addi %scan3A_13, %scan3A_14 : i32
    %scan3A_16 = arith.constant 1 : i32
    scf.for %scan3A_23 = %scan3A_13 to %scan3A_15 step %scan3A_16  : i32 {
      %mul3A_24 = arith.constant 1 : i32
      %mul3A_25 = arith.muli %scan3A_23, %mul3A_24 : i32
      %add3A_26 = arith.constant 0 : i32
      %add3A_27 = arith.addi %add3A_26, %mul3A_25 : i32
      %mul3A_28 = arith.constant 8 : i32
      %mul3A_29 = arith.muli %add3A_27, %mul3A_28 : i32
      %add3A_30 = arith.addi %mul3A_2, %mul3A_29 : i32
      "tpu.region"() ({
        %run_scoped3A = tpu.sem_alloc : memref<!tpu.dma_semaphore, #tpu.memory_space<semaphore_mem>>
        %dma_start3A = arith.constant 0 : i32
        %dma_start3A_39 = tpu.memref_slice %arg2[%add3A_30, %dma_start3A] : memref<2560x128xi32, #tpu.memory_space<hbm>> -> memref<8x128xi32, #tpu.memory_space<hbm>>
        %dma_start3A_40 = arith.constant 0 : i32
        %dma_start3A_41 = tpu.memref_slice %arg2[%add3A_30, %dma_start3A_40] : memref<2560x128xi32, #tpu.memory_space<hbm>> -> memref<8x128xi32, #tpu.memory_space<hbm>>
        tpu.enqueue_dma source(%dma_start3A_41 : memref<8x128xi32, #tpu.memory_space<hbm>>) target(%arg6 : memref<8x128xi32, #tpu.memory_space<vmem>>) target_semaphore(%run_scoped3A : memref<!tpu.dma_semaphore, #tpu.memory_space<semaphore_mem>>)
        %dma_wait3A = arith.constant 0 : i32
        %dma_wait3A_42 = tpu.memref_slice %arg2[%add3A_30, %dma_wait3A] : memref<2560x128xi32, #tpu.memory_space<hbm>> -> memref<8x128xi32, #tpu.memory_space<hbm>>
        %dma_wait3A_43 = arith.constant 0 : i32
        %dma_wait3A_44 = tpu.memref_slice %arg2[%add3A_30, %dma_wait3A_43] : memref<2560x128xi32, #tpu.memory_space<hbm>> -> memref<8x128xi32, #tpu.memory_space<hbm>>
        tpu.wait_dma2 semaphore(%run_scoped3A : memref<!tpu.dma_semaphore, #tpu.memory_space<semaphore_mem>>) src(%dma_wait3A_44 : memref<8x128xi32, #tpu.memory_space<hbm>>) dst(%arg6 : memref<8x128xi32, #tpu.memory_space<vmem>>)
        tpu.yield
      }) : () -> ()
      %mul3A_31 = arith.constant 8 : i32
      %mul3A_32 = arith.muli %add3A_27, %mul3A_31 : i32
      %add3A_33 = arith.addi %mul3A_2, %mul3A_32 : i32
      "tpu.region"() ({
        %run_scoped3A = tpu.sem_alloc : memref<!tpu.dma_semaphore, #tpu.memory_space<semaphore_mem>>
        %dma_start3A = arith.constant 0 : i32
        %dma_start3A_39 = tpu.memref_slice %arg3[%add3A_33, %dma_start3A] : memref<2560x128xi32, #tpu.memory_space<hbm>> -> memref<8x128xi32, #tpu.memory_space<hbm>>
        %dma_start3A_40 = arith.constant 0 : i32
        %dma_start3A_41 = tpu.memref_slice %arg3[%add3A_33, %dma_start3A_40] : memref<2560x128xi32, #tpu.memory_space<hbm>> -> memref<8x128xi32, #tpu.memory_space<hbm>>
        tpu.enqueue_dma source(%dma_start3A_41 : memref<8x128xi32, #tpu.memory_space<hbm>>) target(%arg7 : memref<8x128xi32, #tpu.memory_space<vmem>>) target_semaphore(%run_scoped3A : memref<!tpu.dma_semaphore, #tpu.memory_space<semaphore_mem>>)
        %dma_wait3A = arith.constant 0 : i32
        %dma_wait3A_42 = tpu.memref_slice %arg3[%add3A_33, %dma_wait3A] : memref<2560x128xi32, #tpu.memory_space<hbm>> -> memref<8x128xi32, #tpu.memory_space<hbm>>
        %dma_wait3A_43 = arith.constant 0 : i32
        %dma_wait3A_44 = tpu.memref_slice %arg3[%add3A_33, %dma_wait3A_43] : memref<2560x128xi32, #tpu.memory_space<hbm>> -> memref<8x128xi32, #tpu.memory_space<hbm>>
        tpu.wait_dma2 semaphore(%run_scoped3A : memref<!tpu.dma_semaphore, #tpu.memory_space<semaphore_mem>>) src(%dma_wait3A_44 : memref<8x128xi32, #tpu.memory_space<hbm>>) dst(%arg7 : memref<8x128xi32, #tpu.memory_space<vmem>>)
        tpu.yield
      }) : () -> ()
      %scan3A_34 = arith.constant 0 : i32
      %scan3A_35 = arith.constant 8 : i32
      %scan3A_36 = arith.addi %scan3A_34, %scan3A_35 : i32
      %scan3A_37 = arith.constant 1 : i32
      scf.for %scan3A_39 = %scan3A_34 to %scan3A_36 step %scan3A_37  : i32 {
        %mul3A_40 = arith.constant 1 : i32
        %mul3A_41 = arith.muli %scan3A_39, %mul3A_40 : i32
        %add3A_42 = arith.constant 0 : i32
        %add3A_43 = arith.addi %add3A_42, %mul3A_41 : i32
        "tpu.region"() ({
          %run_scoped3A = tpu.sem_alloc : memref<!tpu.dma_semaphore, #tpu.memory_space<semaphore_mem>>
          %dma_start3A = arith.constant 0 : i32
          %dma_start3A_44 = tpu.memref_slice %arg6[%add3A_43, %dma_start3A] : memref<8x128xi32, #tpu.memory_space<vmem>> -> memref<1x128xi32, #tpu.memory_space<vmem>>
          %dma_start3A_45 = tpu.memref_squeeze %dma_start3A_44 : memref<1x128xi32, #tpu.memory_space<vmem>> -> memref<128xi32, #tpu.memory_space<vmem>>
          %dma_start3A_46 = arith.constant 0 : i32
          %dma_start3A_47 = arith.constant 0 : i32
          %dma_start3A_48 = tpu.memref_slice %arg4[%dma_start3A_46, %dma_start3A_47] : memref<10000x128xf32, #tpu.memory_space<hbm>> -> memref<10000x128xf32, #tpu.memory_space<hbm>>
          tpu.enqueue_indirect_dma source(%dma_start3A_48 : memref<10000x128xf32, #tpu.memory_space<hbm>>) target(%arg8 : memref<128x128xf32, #tpu.memory_space<vmem>>) offsets(%dma_start3A_45 : memref<128xi32, #tpu.memory_space<vmem>>) semaphore(%run_scoped3A : memref<!tpu.dma_semaphore, #tpu.memory_space<semaphore_mem>>)
          %dma_wait3A = arith.constant 0 : i32
          %dma_wait3A_49 = tpu.memref_slice %arg6[%add3A_43, %dma_wait3A] : memref<8x128xi32, #tpu.memory_space<vmem>> -> memref<1x128xi32, #tpu.memory_space<vmem>>
          %dma_wait3A_50 = tpu.memref_squeeze %dma_wait3A_49 : memref<1x128xi32, #tpu.memory_space<vmem>> -> memref<128xi32, #tpu.memory_space<vmem>>
          %dma_wait3A_51 = arith.constant 0 : i32
          %dma_wait3A_52 = arith.constant 0 : i32
          %dma_wait3A_53 = tpu.memref_slice %arg4[%dma_wait3A_51, %dma_wait3A_52] : memref<10000x128xf32, #tpu.memory_space<hbm>> -> memref<10000x128xf32, #tpu.memory_space<hbm>>
          tpu.wait_indirect_dma semaphore(%run_scoped3A : memref<!tpu.dma_semaphore, #tpu.memory_space<semaphore_mem>>) src(%dma_wait3A_53 : memref<10000x128xf32, #tpu.memory_space<hbm>>) dst(%arg8 : memref<128x128xf32, #tpu.memory_space<vmem>>)
          tpu.yield
        }) : () -> ()
        "tpu.region"() ({
          %run_scoped3A = tpu.sem_alloc : memref<!tpu.dma_semaphore, #tpu.memory_space<semaphore_mem>>
          %dma_start3A = arith.constant 0 : i32
          %dma_start3A_44 = tpu.memref_slice %arg7[%add3A_43, %dma_start3A] : memref<8x128xi32, #tpu.memory_space<vmem>> -> memref<1x128xi32, #tpu.memory_space<vmem>>
          %dma_start3A_45 = tpu.memref_squeeze %dma_start3A_44 : memref<1x128xi32, #tpu.memory_space<vmem>> -> memref<128xi32, #tpu.memory_space<vmem>>
          %dma_start3A_46 = arith.constant 0 : i32
          %dma_start3A_47 = arith.constant 0 : i32
          %dma_start3A_48 = tpu.memref_slice %arg10[%dma_start3A_46, %dma_start3A_47] : memref<10240x128xf32, #tpu.memory_space<vmem_shared>> -> memref<10240x128xf32, #tpu.memory_space<vmem_shared>>
          tpu.enqueue_indirect_dma source(%arg8 : memref<128x128xf32, #tpu.memory_space<vmem>>) target(%dma_start3A_48 : memref<10240x128xf32, #tpu.memory_space<vmem_shared>>) offsets(%dma_start3A_45 : memref<128xi32, #tpu.memory_space<vmem>>) semaphore(%run_scoped3A : memref<!tpu.dma_semaphore, #tpu.memory_space<semaphore_mem>>) {add = true}
          %dma_wait3A = arith.constant 0 : i32
          %dma_wait3A_49 = tpu.memref_slice %arg7[%add3A_43, %dma_wait3A] : memref<8x128xi32, #tpu.memory_space<vmem>> -> memref<1x128xi32, #tpu.memory_space<vmem>>
          %dma_wait3A_50 = tpu.memref_squeeze %dma_wait3A_49 : memref<1x128xi32, #tpu.memory_space<vmem>> -> memref<128xi32, #tpu.memory_space<vmem>>
          %dma_wait3A_51 = arith.constant 0 : i32
          %dma_wait3A_52 = arith.constant 0 : i32
          %dma_wait3A_53 = tpu.memref_slice %arg10[%dma_wait3A_51, %dma_wait3A_52] : memref<10240x128xf32, #tpu.memory_space<vmem_shared>> -> memref<10240x128xf32, #tpu.memory_space<vmem_shared>>
          tpu.wait_indirect_dma semaphore(%run_scoped3A : memref<!tpu.dma_semaphore, #tpu.memory_space<semaphore_mem>>) src(%arg8 : memref<128x128xf32, #tpu.memory_space<vmem>>) dst(%dma_wait3A_53 : memref<10240x128xf32, #tpu.memory_space<vmem_shared>>)
          tpu.yield
        }) : () -> ()
      }
      %scan3A_38 = arith.constant 8 : i32
    }
    %scan3A_17 = arith.constant 10 : i32
    %barrier3A_18 = arith.constant 0 : index
    tpu.barrier barrier_id(%barrier3A_18)
    %mul3A_19 = arith.constant 640 : i32
    %mul3A_20 = arith.muli %arg1, %mul3A_19 : i32
    %mul3A_21 = arith.constant 640 : i32
    %mul3A_22 = arith.muli %arg1, %mul3A_21 : i32
    "tpu.region"() ({
      %run_scoped3A = tpu.sem_alloc : memref<!tpu.dma_semaphore, #tpu.memory_space<semaphore_mem>>
      %dma_start3A = arith.constant 0 : i32
      %dma_start3A_23 = tpu.memref_slice %arg5[%arg0, %mul3A_22, %dma_start3A] : memref<2x10240x128xf32, #tpu.memory_space<hbm>> -> memref<1x640x128xf32, #tpu.memory_space<hbm>>
      %dma_start3A_24 = tpu.memref_squeeze %dma_start3A_23 : memref<1x640x128xf32, #tpu.memory_space<hbm>> -> memref<640x128xf32, #tpu.memory_space<hbm>>
      %dma_start3A_25 = arith.constant 0 : i32
      %dma_start3A_26 = tpu.memref_slice %arg10[%mul3A_20, %dma_start3A_25] : memref<10240x128xf32, #tpu.memory_space<vmem_shared>> -> memref<640x128xf32, #tpu.memory_space<vmem_shared>>
      tpu.enqueue_dma source(%dma_start3A_26 : memref<640x128xf32, #tpu.memory_space<vmem_shared>>) target(%dma_start3A_24 : memref<640x128xf32, #tpu.memory_space<hbm>>) target_semaphore(%run_scoped3A : memref<!tpu.dma_semaphore, #tpu.memory_space<semaphore_mem>>)
      %dma_wait3A = arith.constant 0 : i32
      %dma_wait3A_27 = tpu.memref_slice %arg5[%arg0, %mul3A_22, %dma_wait3A] : memref<2x10240x128xf32, #tpu.memory_space<hbm>> -> memref<1x640x128xf32, #tpu.memory_space<hbm>>
      %dma_wait3A_28 = tpu.memref_squeeze %dma_wait3A_27 : memref<1x640x128xf32, #tpu.memory_space<hbm>> -> memref<640x128xf32, #tpu.memory_space<hbm>>
      %dma_wait3A_29 = arith.constant 0 : i32
      %dma_wait3A_30 = tpu.memref_slice %arg10[%mul3A_20, %dma_wait3A_29] : memref<10240x128xf32, #tpu.memory_space<vmem_shared>> -> memref<640x128xf32, #tpu.memory_space<vmem_shared>>
      tpu.wait_dma2 semaphore(%run_scoped3A : memref<!tpu.dma_semaphore, #tpu.memory_space<semaphore_mem>>) src(%dma_wait3A_30 : memref<640x128xf32, #tpu.memory_space<vmem_shared>>) dst(%dma_wait3A_28 : memref<640x128xf32, #tpu.memory_space<hbm>>)
      tpu.yield
    }) : () -> ()
    return
  }
}

#map = affine_map<(d0, d1) -> (0, 0)>
#map1 = affine_map<(d0, d1) -> (0, 0, 0)>
module attributes {stable_mosaic.version = 14 : i64} {
  func.func @_scatter_kernel(%arg0: i32, %arg1: i32, %arg2: memref<2560x128xi32, #tpu.memory_space<hbm>>, %arg3: memref<2560x128xi32, #tpu.memory_space<hbm>>, %arg4: memref<10000x128xf32, #tpu.memory_space<hbm>>, %arg5: memref<2x10240x128xf32, #tpu.memory_space<hbm>>, %arg6: memref<8x128xi32, #tpu.memory_space<vmem>>, %arg7: memref<8x128xi32, #tpu.memory_space<vmem>>, %arg8: memref<128x128xf32, #tpu.memory_space<vmem>>, %arg9: memref<16x128xf32, #tpu.memory_space<vmem>>, %arg10: memref<10240x128xf32, #tpu.memory_space<vmem_shared>>) attributes {dimension_semantics = [#tpu.dimension_semantics<core_parallel>, #tpu.dimension_semantics<subcore_parallel>], iteration_bounds = array<i64: 2, 16>, scalar_prefetch = 0 : i64, scratch_operands = 5 : i64, tpu.core_type = #tpu.core_type<sc_vector_subcore>, window_params = [{transform_indices = #map}, {transform_indices = #map}, {transform_indices = #map}, {transform_indices = #map1}]} {
    %mul3A = arith.constant 2 : i32
    %mul3A_0 = arith.muli %arg1, %mul3A : i32
    %add3A = arith.addi %mul3A_0, %arg0 : i32
    %mul3A_1 = arith.constant 80 : i32
    %mul3A_2 = arith.muli %add3A, %mul3A_1 : i32
    %broadcast_in_dim3A = arith.constant 0.000000e+00 : f32
    %broadcast_in_dim3A_3 = vector.broadcast %broadcast_in_dim3A : f32 to vector<16xf32>
    %scan3A = arith.constant 0 : i32
    %scan3A_4 = arith.constant 16 : i32
    %scan3A_5 = arith.addi %scan3A, %scan3A_4 : i32
    %scan3A_6 = arith.constant 1 : i32
    scf.for %scan3A_23 = %scan3A to %scan3A_5 step %scan3A_6  : i32 {
      %mul3A_24 = arith.constant 1 : i32
      %mul3A_25 = arith.muli %scan3A_23, %mul3A_24 : i32
      %add3A_26 = arith.constant 0 : i32
      %add3A_27 = arith.addi %add3A_26, %mul3A_25 : i32
      %scan3A_28 = arith.constant 0 : i32
      %scan3A_29 = arith.constant 8 : i32
      %scan3A_30 = arith.addi %scan3A_28, %scan3A_29 : i32
      %scan3A_31 = arith.constant 1 : i32
      scf.for %scan3A_33 = %scan3A_28 to %scan3A_30 step %scan3A_31  : i32 {
        %mul3A_34 = arith.constant 1 : i32
        %mul3A_35 = arith.muli %scan3A_33, %mul3A_34 : i32
        %add3A_36 = arith.constant 0 : i32
        %add3A_37 = arith.addi %add3A_36, %mul3A_35 : i32
        %mul3A_38 = arith.constant 16 : i32
        %mul3A_39 = arith.muli %add3A_37, %mul3A_38 : i32
        %swap3A = arith.index_cast %add3A_27 : i32 to index
        %swap3A_40 = arith.index_cast %mul3A_39 : i32 to index
        %swap3A_41 = tpu.vector_load %arg9[%swap3A, %swap3A_40] {strides = array<i32>} : memref<16x128xf32, #tpu.memory_space<vmem>>, vector<1x16xf32>,
        %swap3A_42 = vector.shape_cast %swap3A_41 : vector<1x16xf32> to vector<16xf32>
        %swap3A_43 = vector.shape_cast %broadcast_in_dim3A_3 : vector<16xf32> to vector<1x16xf32>
        tpu.vector_store %arg9[%swap3A, %swap3A_40], %swap3A_43 {strides = array<i32>} : memref<16x128xf32, #tpu.memory_space<vmem>>, vector<1x16xf32>,
      }
      %scan3A_32 = arith.constant 8 : i32
    }
    %scan3A_7 = arith.constant 16 : i32
    %scan3A_8 = arith.constant 0 : i32
    %scan3A_9 = arith.constant 40 : i32
    %scan3A_10 = arith.addi %scan3A_8, %scan3A_9 : i32
    %scan3A_11 = arith.constant 1 : i32
    scf.for %scan3A_23 = %scan3A_8 to %scan3A_10 step %scan3A_11  : i32 {
      %mul3A_24 = arith.constant 1 : i32
      %mul3A_25 = arith.muli %scan3A_23, %mul3A_24 : i32
      %add3A_26 = arith.constant 0 : i32
      %add3A_27 = arith.addi %add3A_26, %mul3A_25 : i32
      %mul3A_28 = arith.constant 640 : i32
      %mul3A_29 = arith.muli %arg1, %mul3A_28 : i32
      %mul3A_30 = arith.constant 16 : i32
      %mul3A_31 = arith.muli %add3A_27, %mul3A_30 : i32
      %add3A_32 = arith.addi %mul3A_29, %mul3A_31 : i32
      "tpu.region"() ({
        %run_scoped3A = tpu.sem_alloc : memref<!tpu.dma_semaphore, #tpu.memory_space<semaphore_mem>>
        %dma_start3A = arith.constant 0 : i32
        %dma_start3A_33 = tpu.memref_slice %arg10[%add3A_32, %dma_start3A] : memref<10240x128xf32, #tpu.memory_space<vmem_shared>> -> memref<16x128xf32, #tpu.memory_space<vmem_shared>>
        %dma_start3A_34 = arith.constant 0 : i32
        %dma_start3A_35 = tpu.memref_slice %arg10[%add3A_32, %dma_start3A_34] : memref<10240x128xf32, #tpu.memory_space<vmem_shared>> -> memref<16x128xf32, #tpu.memory_space<vmem_shared>>
        tpu.enqueue_dma source(%arg9 : memref<16x128xf32, #tpu.memory_space<vmem>>) target(%dma_start3A_35 : memref<16x128xf32, #tpu.memory_space<vmem_shared>>) target_semaphore(%run_scoped3A : memref<!tpu.dma_semaphore, #tpu.memory_space<semaphore_mem>>)
        %dma_wait3A = arith.constant 0 : i32
        %dma_wait3A_36 = tpu.memref_slice %arg10[%add3A_32, %dma_wait3A] : memref<10240x128xf32, #tpu.memory_space<vmem_shared>> -> memref<16x128xf32, #tpu.memory_space<vmem_shared>>
        %dma_wait3A_37 = arith.constant 0 : i32
        %dma_wait3A_38 = tpu.memref_slice %arg10[%add3A_32, %dma_wait3A_37] : memref<10240x128xf32, #tpu.memory_space<vmem_shared>> -> memref<16x128xf32, #tpu.memory_space<vmem_shared>>
        tpu.wait_dma2 semaphore(%run_scoped3A : memref<!tpu.dma_semaphore, #tpu.memory_space<semaphore_mem>>) src(%arg9 : memref<16x128xf32, #tpu.memory_space<vmem>>) dst(%dma_wait3A_38 : memref<16x128xf32, #tpu.memory_space<vmem_shared>>)
        tpu.yield
      }) : () -> ()
    }
    %scan3A_12 = arith.constant 40 : i32
    %barrier3A = arith.constant 0 : index
    tpu.barrier barrier_id(%barrier3A)
    %scan3A_13 = arith.constant 0 : i32
    %scan3A_14 = arith.constant 10 : i32
    %scan3A_15 = arith.addi %scan3A_13, %scan3A_14 : i32
    %scan3A_16 = arith.constant 1 : i32
    scf.for %scan3A_23 = %scan3A_13 to %scan3A_15 step %scan3A_16  : i32 {
      %mul3A_24 = arith.constant 1 : i32
      %mul3A_25 = arith.muli %scan3A_23, %mul3A_24 : i32
      %add3A_26 = arith.constant 0 : i32
      %add3A_27 = arith.addi %add3A_26, %mul3A_25 : i32
      %mul3A_28 = arith.constant 8 : i32
      %mul3A_29 = arith.muli %add3A_27, %mul3A_28 : i32
      %add3A_30 = arith.addi %mul3A_2, %mul3A_29 : i32
      "tpu.region"() ({
        %run_scoped3A = tpu.sem_alloc : memref<!tpu.dma_semaphore, #tpu.memory_space<semaphore_mem>>
        %dma_start3A = arith.constant 0 : i32
        %dma_start3A_39 = tpu.memref_slice %arg2[%add3A_30, %dma_start3A] : memref<2560x128xi32, #tpu.memory_space<hbm>> -> memref<8x128xi32, #tpu.memory_space<hbm>>
        %dma_start3A_40 = arith.constant 0 : i32
        %dma_start3A_41 = tpu.memref_slice %arg2[%add3A_30, %dma_start3A_40] : memref<2560x128xi32, #tpu.memory_space<hbm>> -> memref<8x128xi32, #tpu.memory_space<hbm>>
        tpu.enqueue_dma source(%dma_start3A_41 : memref<8x128xi32, #tpu.memory_space<hbm>>) target(%arg6 : memref<8x128xi32, #tpu.memory_space<vmem>>) target_semaphore(%run_scoped3A : memref<!tpu.dma_semaphore, #tpu.memory_space<semaphore_mem>>)
        %dma_wait3A = arith.constant 0 : i32
        %dma_wait3A_42 = tpu.memref_slice %arg2[%add3A_30, %dma_wait3A] : memref<2560x128xi32, #tpu.memory_space<hbm>> -> memref<8x128xi32, #tpu.memory_space<hbm>>
        %dma_wait3A_43 = arith.constant 0 : i32
        %dma_wait3A_44 = tpu.memref_slice %arg2[%add3A_30, %dma_wait3A_43] : memref<2560x128xi32, #tpu.memory_space<hbm>> -> memref<8x128xi32, #tpu.memory_space<hbm>>
        tpu.wait_dma2 semaphore(%run_scoped3A : memref<!tpu.dma_semaphore, #tpu.memory_space<semaphore_mem>>) src(%dma_wait3A_44 : memref<8x128xi32, #tpu.memory_space<hbm>>) dst(%arg6 : memref<8x128xi32, #tpu.memory_space<vmem>>)
        tpu.yield
      }) : () -> ()
      %mul3A_31 = arith.constant 8 : i32
      %mul3A_32 = arith.muli %add3A_27, %mul3A_31 : i32
      %add3A_33 = arith.addi %mul3A_2, %mul3A_32 : i32
      "tpu.region"() ({
        %run_scoped3A = tpu.sem_alloc : memref<!tpu.dma_semaphore, #tpu.memory_space<semaphore_mem>>
        %dma_start3A = arith.constant 0 : i32
        %dma_start3A_39 = tpu.memref_slice %arg3[%add3A_33, %dma_start3A] : memref<2560x128xi32, #tpu.memory_space<hbm>> -> memref<8x128xi32, #tpu.memory_space<hbm>>
        %dma_start3A_40 = arith.constant 0 : i32
        %dma_start3A_41 = tpu.memref_slice %arg3[%add3A_33, %dma_start3A_40] : memref<2560x128xi32, #tpu.memory_space<hbm>> -> memref<8x128xi32, #tpu.memory_space<hbm>>
        tpu.enqueue_dma source(%dma_start3A_41 : memref<8x128xi32, #tpu.memory_space<hbm>>) target(%arg7 : memref<8x128xi32, #tpu.memory_space<vmem>>) target_semaphore(%run_scoped3A : memref<!tpu.dma_semaphore, #tpu.memory_space<semaphore_mem>>)
        %dma_wait3A = arith.constant 0 : i32
        %dma_wait3A_42 = tpu.memref_slice %arg3[%add3A_33, %dma_wait3A] : memref<2560x128xi32, #tpu.memory_space<hbm>> -> memref<8x128xi32, #tpu.memory_space<hbm>>
        %dma_wait3A_43 = arith.constant 0 : i32
        %dma_wait3A_44 = tpu.memref_slice %arg3[%add3A_33, %dma_wait3A_43] : memref<2560x128xi32, #tpu.memory_space<hbm>> -> memref<8x128xi32, #tpu.memory_space<hbm>>
        tpu.wait_dma2 semaphore(%run_scoped3A : memref<!tpu.dma_semaphore, #tpu.memory_space<semaphore_mem>>) src(%dma_wait3A_44 : memref<8x128xi32, #tpu.memory_space<hbm>>) dst(%arg7 : memref<8x128xi32, #tpu.memory_space<vmem>>)
        tpu.yield
      }) : () -> ()
      %scan3A_34 = arith.constant 0 : i32
      %scan3A_35 = arith.constant 8 : i32
      %scan3A_36 = arith.addi %scan3A_34, %scan3A_35 : i32
      %scan3A_37 = arith.constant 1 : i32
      scf.for %scan3A_39 = %scan3A_34 to %scan3A_36 step %scan3A_37  : i32 {
        %mul3A_40 = arith.constant 1 : i32
        %mul3A_41 = arith.muli %scan3A_39, %mul3A_40 : i32
        %add3A_42 = arith.constant 0 : i32
        %add3A_43 = arith.addi %add3A_42, %mul3A_41 : i32
        "tpu.region"() ({
          %run_scoped3A = tpu.sem_alloc : memref<!tpu.dma_semaphore, #tpu.memory_space<semaphore_mem>>
          %dma_start3A = arith.constant 0 : i32
          %dma_start3A_44 = tpu.memref_slice %arg6[%add3A_43, %dma_start3A] : memref<8x128xi32, #tpu.memory_space<vmem>> -> memref<1x128xi32, #tpu.memory_space<vmem>>
          %dma_start3A_45 = tpu.memref_squeeze %dma_start3A_44 : memref<1x128xi32, #tpu.memory_space<vmem>> -> memref<128xi32, #tpu.memory_space<vmem>>
          %dma_start3A_46 = arith.constant 0 : i32
          %dma_start3A_47 = arith.constant 0 : i32
          %dma_start3A_48 = tpu.memref_slice %arg4[%dma_start3A_46, %dma_start3A_47] : memref<10000x128xf32, #tpu.memory_space<hbm>> -> memref<10000x128xf32, #tpu.memory_space<hbm>>
          tpu.enqueue_indirect_dma source(%dma_start3A_48 : memref<10000x128xf32, #tpu.memory_space<hbm>>) target(%arg8 : memref<128x128xf32, #tpu.memory_space<vmem>>) offsets(%dma_start3A_45 : memref<128xi32, #tpu.memory_space<vmem>>) semaphore(%run_scoped3A : memref<!tpu.dma_semaphore, #tpu.memory_space<semaphore_mem>>)
          %dma_wait3A = arith.constant 0 : i32
          %dma_wait3A_49 = tpu.memref_slice %arg6[%add3A_43, %dma_wait3A] : memref<8x128xi32, #tpu.memory_space<vmem>> -> memref<1x128xi32, #tpu.memory_space<vmem>>
          %dma_wait3A_50 = tpu.memref_squeeze %dma_wait3A_49 : memref<1x128xi32, #tpu.memory_space<vmem>> -> memref<128xi32, #tpu.memory_space<vmem>>
          %dma_wait3A_51 = arith.constant 0 : i32
          %dma_wait3A_52 = arith.constant 0 : i32
          %dma_wait3A_53 = tpu.memref_slice %arg4[%dma_wait3A_51, %dma_wait3A_52] : memref<10000x128xf32, #tpu.memory_space<hbm>> -> memref<10000x128xf32, #tpu.memory_space<hbm>>
          tpu.wait_indirect_dma semaphore(%run_scoped3A : memref<!tpu.dma_semaphore, #tpu.memory_space<semaphore_mem>>) src(%dma_wait3A_53 : memref<10000x128xf32, #tpu.memory_space<hbm>>) dst(%arg8 : memref<128x128xf32, #tpu.memory_space<vmem>>)
          tpu.yield
        }) : () -> ()
        "tpu.region"() ({
          %run_scoped3A = tpu.sem_alloc : memref<!tpu.dma_semaphore, #tpu.memory_space<semaphore_mem>>
          %dma_start3A = arith.constant 0 : i32
          %dma_start3A_44 = tpu.memref_slice %arg7[%add3A_43, %dma_start3A] : memref<8x128xi32, #tpu.memory_space<vmem>> -> memref<1x128xi32, #tpu.memory_space<vmem>>
          %dma_start3A_45 = tpu.memref_squeeze %dma_start3A_44 : memref<1x128xi32, #tpu.memory_space<vmem>> -> memref<128xi32, #tpu.memory_space<vmem>>
          %dma_start3A_46 = arith.constant 0 : i32
          %dma_start3A_47 = arith.constant 0 : i32
          %dma_start3A_48 = tpu.memref_slice %arg10[%dma_start3A_46, %dma_start3A_47] : memref<10240x128xf32, #tpu.memory_space<vmem_shared>> -> memref<10240x128xf32, #tpu.memory_space<vmem_shared>>
          tpu.enqueue_indirect_dma source(%arg8 : memref<128x128xf32, #tpu.memory_space<vmem>>) target(%dma_start3A_48 : memref<10240x128xf32, #tpu.memory_space<vmem_shared>>) offsets(%dma_start3A_45 : memref<128xi32, #tpu.memory_space<vmem>>) semaphore(%run_scoped3A : memref<!tpu.dma_semaphore, #tpu.memory_space<semaphore_mem>>) {add = true}
          %dma_wait3A = arith.constant 0 : i32
          %dma_wait3A_49 = tpu.memref_slice %arg7[%add3A_43, %dma_wait3A] : memref<8x128xi32, #tpu.memory_space<vmem>> -> memref<1x128xi32, #tpu.memory_space<vmem>>
          %dma_wait3A_50 = tpu.memref_squeeze %dma_wait3A_49 : memref<1x128xi32, #tpu.memory_space<vmem>> -> memref<128xi32, #tpu.memory_space<vmem>>
          %dma_wait3A_51 = arith.constant 0 : i32
          %dma_wait3A_52 = arith.constant 0 : i32
          %dma_wait3A_53 = tpu.memref_slice %arg10[%dma_wait3A_51, %dma_wait3A_52] : memref<10240x128xf32, #tpu.memory_space<vmem_shared>> -> memref<10240x128xf32, #tpu.memory_space<vmem_shared>>
          tpu.wait_indirect_dma semaphore(%run_scoped3A : memref<!tpu.dma_semaphore, #tpu.memory_space<semaphore_mem>>) src(%arg8 : memref<128x128xf32, #tpu.memory_space<vmem>>) dst(%dma_wait3A_53 : memref<10240x128xf32, #tpu.memory_space<vmem_shared>>)
          tpu.yield
        }) : () -> ()
      }
      %scan3A_38 = arith.constant 8 : i32
    }
    %scan3A_17 = arith.constant 10 : i32
    %barrier3A_18 = arith.constant 0 : index
    tpu.barrier barrier_id(%barrier3A_18)
    %mul3A_19 = arith.constant 640 : i32
    %mul3A_20 = arith.muli %arg1, %mul3A_19 : i32
    %mul3A_21 = arith.constant 640 : i32
    %mul3A_22 = arith.muli %arg1, %mul3A_21 : i32
    "tpu.region"() ({
      %run_scoped3A = tpu.sem_alloc : memref<!tpu.dma_semaphore, #tpu.memory_space<semaphore_mem>>
      %dma_start3A = arith.constant 0 : i32
      %dma_start3A_23 = tpu.memref_slice %arg5[%arg0, %mul3A_22, %dma_start3A] : memref<2x10240x128xf32, #tpu.memory_space<hbm>> -> memref<1x640x128xf32, #tpu.memory_space<hbm>>
      %dma_start3A_24 = tpu.memref_squeeze %dma_start3A_23 : memref<1x640x128xf32, #tpu.memory_space<hbm>> -> memref<640x128xf32, #tpu.memory_space<hbm>>
      %dma_start3A_25 = arith.constant 0 : i32
      %dma_start3A_26 = tpu.memref_slice %arg10[%mul3A_20, %dma_start3A_25] : memref<10240x128xf32, #tpu.memory_space<vmem_shared>> -> memref<640x128xf32, #tpu.memory_space<vmem_shared>>
      tpu.enqueue_dma source(%dma_start3A_26 : memref<640x128xf32, #tpu.memory_space<vmem_shared>>) target(%dma_start3A_24 : memref<640x128xf32, #tpu.memory_space<hbm>>) target_semaphore(%run_scoped3A : memref<!tpu.dma_semaphore, #tpu.memory_space<semaphore_mem>>)
      %dma_wait3A = arith.constant 0 : i32
      %dma_wait3A_27 = tpu.memref_slice %arg5[%arg0, %mul3A_22, %dma_wait3A] : memref<2x10240x128xf32, #tpu.memory_space<hbm>> -> memref<1x640x128xf32, #tpu.memory_space<hbm>>
      %dma_wait3A_28 = tpu.memref_squeeze %dma_wait3A_27 : memref<1x640x128xf32, #tpu.memory_space<hbm>> -> memref<640x128xf32, #tpu.memory_space<hbm>>
      %dma_wait3A_29 = arith.constant 0 : i32
      %dma_wait3A_30 = tpu.memref_slice %arg10[%mul3A_20, %dma_wait3A_29] : memref<10240x128xf32, #tpu.memory_space<vmem_shared>> -> memref<640x128xf32, #tpu.memory_space<vmem_shared>>
      tpu.wait_dma2 semaphore(%run_scoped3A : memref<!tpu.dma_semaphore, #tpu.memory_space<semaphore_mem>>) src(%dma_wait3A_30 : memref<640x128xf32, #tpu.memory_space<vmem_shared>>) dst(%dma_wait3A_28 : memref<640x128xf32, #tpu.memory_space<hbm>>)
      tpu.yield
    }) : () -> ()
    return
  }
}

module attributes {stable_mosaic.version = 14 : i64} {
  func.func @_tc0_body(%arg0: memref<10000x128xf32, #tpu.memory_space<vmem>>, %arg1: memref<128x128xf32, #tpu.memory_space<vmem>>, %arg2: memref<10000x128xf32, #tpu.memory_space<vmem>>) attributes {dimension_semantics = [], scalar_prefetch = 0 : i64, scratch_operands = 0 : i64, tpu.core_type = #tpu.core_type<tc>} {
    %get3A = arith.constant 0 : index
    %get3A_0 = arith.constant 0 : index
    %get3A_1 = vector.load %arg0[%get3A, %get3A_0] : memref<10000x128xf32, #tpu.memory_space<vmem>>, vector<10000x128xf32>
    %get3A_2 = arith.constant 0 : index
    %get3A_3 = arith.constant 0 : index
    %get3A_4 = vector.load %arg1[%get3A_2, %get3A_3] : memref<128x128xf32, #tpu.memory_space<vmem>>, vector<128x128xf32>
    %dot_general3A = arith.constant dense<0.000000e+00> : vector<10000x128xf32>
    %dot_general3A_5 = tpu.matmul %get3A_1, %get3A_4, %dot_general3A {dimension_numbers = #tpu.dot_dimension_numbers<[1], [0], [0], [1], [0, 0, 1, 1], [], []>, transpose_lhs_hint = false} : vector<10000x128xf32>, vector<128x128xf32>, vector<10000x128xf32> -> vector<10000x128xf32>
    %swap3A = arith.constant 0 : index
    %swap3A_6 = arith.constant 0 : index
    %swap3A_7 = vector.load %arg2[%swap3A, %swap3A_6] : memref<10000x128xf32, #tpu.memory_space<vmem>>, vector<10000x128xf32>
    tpu.vector_store %arg2[%swap3A, %swap3A_6], %dot_general3A_5 {strides = array<i32>} : memref<10000x128xf32, #tpu.memory_space<vmem>>, vector<10000x128xf32>,
    return
  }
}

module attributes {stable_mosaic.version = 14 : i64} {
  func.func @_tc1_body(%arg0: memref<10000x128xf32, #tpu.memory_space<vmem>>, %arg1: memref<2x10240x16xf32, #tpu.memory_space<vmem>>, %arg2: memref<10000x128xf32, #tpu.memory_space<vmem>>) attributes {dimension_semantics = [], scalar_prefetch = 0 : i64, scratch_operands = 0 : i64, tpu.core_type = #tpu.core_type<tc>} {
    %get3A = arith.constant 0 : index
    %get3A_0 = arith.constant 0 : index
    %get3A_1 = vector.load %arg0[%get3A, %get3A_0] : memref<10000x128xf32, #tpu.memory_space<vmem>>, vector<10000x128xf32>
    %get3A_2 = arith.constant 0 : index
    %get3A_3 = arith.constant 0 : index
    %get3A_4 = arith.constant 0 : index
    %get3A_5 = vector.load %arg1[%get3A_2, %get3A_3, %get3A_4] : memref<2x10240x16xf32, #tpu.memory_space<vmem>>, vector<1x10000x1xf32>
    %get3A_6 = vector.shape_cast %get3A_5 : vector<1x10000x1xf32> to vector<10000x1xf32>
    %get3A_7 = arith.constant 1 : index
    %get3A_8 = arith.constant 0 : index
    %get3A_9 = arith.constant 0 : index
    %get3A_10 = vector.load %arg1[%get3A_7, %get3A_8, %get3A_9] : memref<2x10240x16xf32, #tpu.memory_space<vmem>>, vector<1x10000x1xf32>
    %get3A_11 = vector.shape_cast %get3A_10 : vector<1x10000x1xf32> to vector<10000x1xf32>
    %add3A = arith.addf %get3A_6, %get3A_11 : vector<10000x1xf32>
    %add3A_12 = arith.constant 1.000000e+00 : f32
    %add3A_13 = vector.broadcast %add3A_12 : f32 to vector<10000x1xf32>
    %add3A_14 = arith.addf %add3A, %add3A_13 : vector<10000x1xf32>
    %rsqrt3A = math.rsqrt %add3A_14 : vector<10000x1xf32>
    %mul3A = vector.broadcast %rsqrt3A : vector<10000x1xf32> to vector<10000x128xf32>
    %mul3A_15 = arith.mulf %get3A_1, %mul3A : vector<10000x128xf32>
    %swap3A = arith.constant 0 : index
    %swap3A_16 = arith.constant 0 : index
    %swap3A_17 = vector.load %arg2[%swap3A, %swap3A_16] : memref<10000x128xf32, #tpu.memory_space<vmem>>, vector<10000x128xf32>
    tpu.vector_store %arg2[%swap3A, %swap3A_16], %mul3A_15 {strides = array<i32>} : memref<10000x128xf32, #tpu.memory_space<vmem>>, vector<10000x128xf32>,
    return
  }
}

module attributes {stable_mosaic.version = 14 : i64} {
  func.func @_tc2_body(%arg0: memref<10000x128xf32, #tpu.memory_space<vmem>>, %arg1: memref<2x10240x128xf32, #tpu.memory_space<vmem>>, %arg2: memref<2x10240x16xf32, #tpu.memory_space<vmem>>, %arg3: memref<128x128xf32, #tpu.memory_space<vmem>>, %arg4: memref<1x128xf32, #tpu.memory_space<vmem>>, %arg5: memref<10000x128xf32, #tpu.memory_space<vmem>>) attributes {dimension_semantics = [], scalar_prefetch = 0 : i64, scratch_operands = 0 : i64, tpu.core_type = #tpu.core_type<tc>} {
    %get3A = arith.constant 0 : index
    %get3A_0 = arith.constant 0 : index
    %get3A_1 = arith.constant 0 : index
    %get3A_2 = vector.load %arg2[%get3A, %get3A_0, %get3A_1] : memref<2x10240x16xf32, #tpu.memory_space<vmem>>, vector<1x10000x1xf32>
    %get3A_3 = vector.shape_cast %get3A_2 : vector<1x10000x1xf32> to vector<10000x1xf32>
    %get3A_4 = arith.constant 1 : index
    %get3A_5 = arith.constant 0 : index
    %get3A_6 = arith.constant 0 : index
    %get3A_7 = vector.load %arg2[%get3A_4, %get3A_5, %get3A_6] : memref<2x10240x16xf32, #tpu.memory_space<vmem>>, vector<1x10000x1xf32>
    %get3A_8 = vector.shape_cast %get3A_7 : vector<1x10000x1xf32> to vector<10000x1xf32>
    %add3A = arith.addf %get3A_3, %get3A_8 : vector<10000x1xf32>
    %add3A_9 = arith.constant 1.000000e+00 : f32
    %add3A_10 = vector.broadcast %add3A_9 : f32 to vector<10000x1xf32>
    %add3A_11 = arith.addf %add3A, %add3A_10 : vector<10000x1xf32>
    %rsqrt3A = math.rsqrt %add3A_11 : vector<10000x1xf32>
    %get3A_12 = arith.constant 0 : index
    %get3A_13 = arith.constant 0 : index
    %get3A_14 = arith.constant 0 : index
    %get3A_15 = vector.load %arg1[%get3A_12, %get3A_13, %get3A_14] : memref<2x10240x128xf32, #tpu.memory_space<vmem>>, vector<1x10000x128xf32>
    %get3A_16 = vector.shape_cast %get3A_15 : vector<1x10000x128xf32> to vector<10000x128xf32>
    %get3A_17 = arith.constant 1 : index
    %get3A_18 = arith.constant 0 : index
    %get3A_19 = arith.constant 0 : index
    %get3A_20 = vector.load %arg1[%get3A_17, %get3A_18, %get3A_19] : memref<2x10240x128xf32, #tpu.memory_space<vmem>>, vector<1x10000x128xf32>
    %get3A_21 = vector.shape_cast %get3A_20 : vector<1x10000x128xf32> to vector<10000x128xf32>
    %add3A_22 = arith.addf %get3A_16, %get3A_21 : vector<10000x128xf32>
    %get3A_23 = arith.constant 0 : index
    %get3A_24 = arith.constant 0 : index
    %get3A_25 = vector.load %arg0[%get3A_23, %get3A_24] : memref<10000x128xf32, #tpu.memory_space<vmem>>, vector<10000x128xf32>
    %add3A_26 = arith.addf %add3A_22, %get3A_25 : vector<10000x128xf32>
    %mul3A = vector.broadcast %rsqrt3A : vector<10000x1xf32> to vector<10000x128xf32>
    %mul3A_27 = arith.mulf %mul3A, %add3A_26 : vector<10000x128xf32>
    %get3A_28 = arith.constant 0 : index
    %get3A_29 = arith.constant 0 : index
    %get3A_30 = vector.load %arg4[%get3A_28, %get3A_29] : memref<1x128xf32, #tpu.memory_space<vmem>>, vector<1x128xf32>
    %add3A_31 = vector.broadcast %get3A_30 : vector<1x128xf32> to vector<10000x128xf32>
    %add3A_32 = arith.addf %mul3A_27, %add3A_31 : vector<10000x128xf32>
    %max3A = arith.constant 0.000000e+00 : f32
    %max3A_33 = vector.broadcast %max3A : f32 to vector<10000x128xf32>
    %max3A_34 = arith.maximumf %add3A_32, %max3A_33 : vector<10000x128xf32>
    %get3A_35 = arith.constant 0 : index
    %get3A_36 = arith.constant 0 : index
    %get3A_37 = vector.load %arg3[%get3A_35, %get3A_36] : memref<128x128xf32, #tpu.memory_space<vmem>>, vector<128x128xf32>
    %dot_general3A = arith.constant dense<0.000000e+00> : vector<10000x128xf32>
    %dot_general3A_38 = tpu.matmul %max3A_34, %get3A_37, %dot_general3A {dimension_numbers = #tpu.dot_dimension_numbers<[1], [0], [0], [1], [0, 0, 1, 1], [], []>, transpose_lhs_hint = false} : vector<10000x128xf32>, vector<128x128xf32>, vector<10000x128xf32> -> vector<10000x128xf32>
    %mul3A_39 = vector.broadcast %rsqrt3A : vector<10000x1xf32> to vector<10000x128xf32>
    %mul3A_40 = arith.mulf %dot_general3A_38, %mul3A_39 : vector<10000x128xf32>
    %swap3A = arith.constant 0 : index
    %swap3A_41 = arith.constant 0 : index
    %swap3A_42 = vector.load %arg5[%swap3A, %swap3A_41] : memref<10000x128xf32, #tpu.memory_space<vmem>>, vector<10000x128xf32>
    tpu.vector_store %arg5[%swap3A, %swap3A_41], %mul3A_40 {strides = array<i32>} : memref<10000x128xf32, #tpu.memory_space<vmem>>, vector<10000x128xf32>,
    return
  }
}

module attributes {stable_mosaic.version = 14 : i64} {
  func.func @_tc3_body(%arg0: memref<10000x128xf32, #tpu.memory_space<vmem>>, %arg1: memref<2x10240x128xf32, #tpu.memory_space<vmem>>, %arg2: memref<2x10240x16xf32, #tpu.memory_space<vmem>>, %arg3: memref<128x64xf32, #tpu.memory_space<vmem>>, %arg4: memref<1x128xf32, #tpu.memory_space<vmem>>, %arg5: memref<1x64xf32, #tpu.memory_space<vmem>>, %arg6: memref<10000x64xf32, #tpu.memory_space<vmem>>) attributes {dimension_semantics = [], scalar_prefetch = 0 : i64, scratch_operands = 0 : i64, tpu.core_type = #tpu.core_type<tc>} {
    %get3A = arith.constant 0 : index
    %get3A_0 = arith.constant 0 : index
    %get3A_1 = arith.constant 0 : index
    %get3A_2 = vector.load %arg2[%get3A, %get3A_0, %get3A_1] : memref<2x10240x16xf32, #tpu.memory_space<vmem>>, vector<1x10000x1xf32>
    %get3A_3 = vector.shape_cast %get3A_2 : vector<1x10000x1xf32> to vector<10000x1xf32>
    %get3A_4 = arith.constant 1 : index
    %get3A_5 = arith.constant 0 : index
    %get3A_6 = arith.constant 0 : index
    %get3A_7 = vector.load %arg2[%get3A_4, %get3A_5, %get3A_6] : memref<2x10240x16xf32, #tpu.memory_space<vmem>>, vector<1x10000x1xf32>
    %get3A_8 = vector.shape_cast %get3A_7 : vector<1x10000x1xf32> to vector<10000x1xf32>
    %add3A = arith.addf %get3A_3, %get3A_8 : vector<10000x1xf32>
    %add3A_9 = arith.constant 1.000000e+00 : f32
    %add3A_10 = vector.broadcast %add3A_9 : f32 to vector<10000x1xf32>
    %add3A_11 = arith.addf %add3A, %add3A_10 : vector<10000x1xf32>
    %rsqrt3A = math.rsqrt %add3A_11 : vector<10000x1xf32>
    %get3A_12 = arith.constant 0 : index
    %get3A_13 = arith.constant 0 : index
    %get3A_14 = arith.constant 0 : index
    %get3A_15 = vector.load %arg1[%get3A_12, %get3A_13, %get3A_14] : memref<2x10240x128xf32, #tpu.memory_space<vmem>>, vector<1x10000x128xf32>
    %get3A_16 = vector.shape_cast %get3A_15 : vector<1x10000x128xf32> to vector<10000x128xf32>
    %get3A_17 = arith.constant 1 : index
    %get3A_18 = arith.constant 0 : index
    %get3A_19 = arith.constant 0 : index
    %get3A_20 = vector.load %arg1[%get3A_17, %get3A_18, %get3A_19] : memref<2x10240x128xf32, #tpu.memory_space<vmem>>, vector<1x10000x128xf32>
    %get3A_21 = vector.shape_cast %get3A_20 : vector<1x10000x128xf32> to vector<10000x128xf32>
    %add3A_22 = arith.addf %get3A_16, %get3A_21 : vector<10000x128xf32>
    %get3A_23 = arith.constant 0 : index
    %get3A_24 = arith.constant 0 : index
    %get3A_25 = vector.load %arg0[%get3A_23, %get3A_24] : memref<10000x128xf32, #tpu.memory_space<vmem>>, vector<10000x128xf32>
    %add3A_26 = arith.addf %add3A_22, %get3A_25 : vector<10000x128xf32>
    %mul3A = vector.broadcast %rsqrt3A : vector<10000x1xf32> to vector<10000x128xf32>
    %mul3A_27 = arith.mulf %mul3A, %add3A_26 : vector<10000x128xf32>
    %get3A_28 = arith.constant 0 : index
    %get3A_29 = arith.constant 0 : index
    %get3A_30 = vector.load %arg4[%get3A_28, %get3A_29] : memref<1x128xf32, #tpu.memory_space<vmem>>, vector<1x128xf32>
    %add3A_31 = vector.broadcast %get3A_30 : vector<1x128xf32> to vector<10000x128xf32>
    %add3A_32 = arith.addf %mul3A_27, %add3A_31 : vector<10000x128xf32>
    %max3A = arith.constant 0.000000e+00 : f32
    %max3A_33 = vector.broadcast %max3A : f32 to vector<10000x128xf32>
    %max3A_34 = arith.maximumf %add3A_32, %max3A_33 : vector<10000x128xf32>
    %get3A_35 = arith.constant 0 : index
    %get3A_36 = arith.constant 0 : index
    %get3A_37 = vector.load %arg3[%get3A_35, %get3A_36] : memref<128x64xf32, #tpu.memory_space<vmem>>, vector<128x64xf32>
    %dot_general3A = arith.constant dense<0.000000e+00> : vector<10000x64xf32>
    %dot_general3A_38 = tpu.matmul %max3A_34, %get3A_37, %dot_general3A {dimension_numbers = #tpu.dot_dimension_numbers<[1], [0], [0], [1], [0, 0, 1, 1], [], []>, transpose_lhs_hint = false} : vector<10000x128xf32>, vector<128x64xf32>, vector<10000x64xf32> -> vector<10000x64xf32>
    %get3A_39 = arith.constant 0 : index
    %get3A_40 = arith.constant 0 : index
    %get3A_41 = vector.load %arg5[%get3A_39, %get3A_40] : memref<1x64xf32, #tpu.memory_space<vmem>>, vector<1x64xf32>
    %add3A_42 = vector.broadcast %get3A_41 : vector<1x64xf32> to vector<10000x64xf32>
    %add3A_43 = arith.addf %dot_general3A_38, %add3A_42 : vector<10000x64xf32>
    %reduce_max3A = arith.constant dense<0xFF800000> : vector<10000xf32>
    %reduce_max3A_44 = vector.multi_reduction <maximumf>, %add3A_43, %reduce_max3A [1] : vector<10000x64xf32> to vector<10000xf32>
    %broadcast_in_dim3A = vector.shape_cast %reduce_max3A_44 : vector<10000xf32> to vector<10000x1xf32>
    %sub3A = vector.broadcast %broadcast_in_dim3A : vector<10000x1xf32> to vector<10000x64xf32>
    %sub3A_45 = arith.subf %add3A_43, %sub3A : vector<10000x64xf32>
    %exp3A = math.exp %sub3A_45 : vector<10000x64xf32>
    %reduce_sum3A = arith.constant dense<0.000000e+00> : vector<10000xf32>
    %reduce_sum3A_46 = vector.multi_reduction <add>, %exp3A, %reduce_sum3A [1] : vector<10000x64xf32> to vector<10000xf32>
    %broadcast_in_dim3A_47 = vector.shape_cast %reduce_sum3A_46 : vector<10000xf32> to vector<10000x1xf32>
    %log3A = math.log %broadcast_in_dim3A_47 : vector<10000x1xf32>
    %add3A_48 = arith.addf %log3A, %broadcast_in_dim3A : vector<10000x1xf32>
    %sub3A_49 = vector.broadcast %add3A_48 : vector<10000x1xf32> to vector<10000x64xf32>
    %sub3A_50 = arith.subf %add3A_43, %sub3A_49 : vector<10000x64xf32>
    %swap3A = arith.constant 0 : index
    %swap3A_51 = arith.constant 0 : index
    %swap3A_52 = vector.load %arg6[%swap3A, %swap3A_51] : memref<10000x64xf32, #tpu.memory_space<vmem>>, vector<10000x64xf32>
    tpu.vector_store %arg6[%swap3A, %swap3A_51], %sub3A_50 {strides = array<i32>} : memref<10000x64xf32, #tpu.memory_space<vmem>>, vector<10000x64xf32>,
    return
  }
}

</mosaic_0001>

<sc_bundles>
// kernel: kernel.12.cloned.1.call-start
scs
__scs_entry_jumppad:
0x0: {  	(pc) =	sbr.rel $0x88, $3  }
0x1: {  	(tag) =	ssettag $0x0;
	lr =	simm.s32 $0x1  }
0x2: {  	[smem:$0x3F99] =	sst lr;
	_ =	strace $0xD0000000  }
0x3: {  	_ = 	snop  }
0x4: {  	_ = 	snop  }
0x5: {  	_ = 	snop  }
0x6: {  	_ = 	snop  }
0x7: {  	_ = 	snop  }
__scs_overlays_trampoline_lowered:
0x8: {  	[smem:$0x3FA8] =	sst s0  }
0x9: {  	[smem:$0x3FA9] =	sst s1  }
0xa: {  	[smem:$0x3FAA] =	sst s2  }
0xb: {  	[smem:$0x3FAB] =	sst s3  }
0xc: {  	[smem:$0x3FAC] =	sst s4  }
0xd: {  	[smem:$0x3FAD] =	sst s5  }
0xe: {  	[smem:$0x3FAE] =	sst s6  }
0xf: {  	[smem:$0x3FAF] =	sst s7  }
0x10: {  	[smem:$0x3FB0] =	sst s8  }
0x11: {  	[smem:$0x3FB1] =	sst s9;
	s0 =	simm.s32 @!p0 $0x0  }
0x12: {  	s1 =	sld [smem:$0x3F97];
	s0 =	simm.s32 @p0 $0x1  }
0x13: {  	[smem:$0x3FB2] =	sst s0;
	s0 =	simm.s32 @!p1 $0x0  }
0x14: {  	s2 =	sld [smem:$0x3F96];
	s0 =	simm.s32 @p1 $0x1  }
0x15: {  	[smem:$0x3FB3] =	sst s0;
	s0 =	simm.s32 @!p2 $0x0  }
0x16: {  	s3 =	sld [smem:$0x3FDB];
	s0 =	simm.s32 @p2 $0x1  }
0x17: {  	s4 =	simm.s32 $0x1BF5;
	[smem:$0x3FB5] =	sst s0  }
0x18: {  	s0 =	sld [smem:$0x3F98];
	_ =	swait.ge [sflag:s4], $0x0  }
0x19: {  	s7 =	sld [smem:$0x3F99]  }
0x1a: {  	s8 =	sadd.s32 $0xFFFFE003, lr  }
0x1b: {  	s9 =	sadd.s32 $0xFFFFFEF7, lr;
	s5 =	simm.s32 $0xFFFFFFFF;
	p2 =	slt.u32 s8, $0xFFFFF086  }
0x1c: {  	p1 =	slt.u32 s9, $0xF7A;
	s5 =	simm.s32 @!p2 $0x0  }
0x1d: {  	s5 =	simm.s32 @p1 $0x1;
	p0 =	seq.s32 s7, s2  }
0x1e: {  	s7 =	smul.u32 @!p0 $0xF7A, s2;
	p2 =	seq.s32 @!p0 s5, $0x0  }
0x1f: {  	s9 =	smul.u32 $0xF7A, s1;
	s8 =	simm.s32 @!p0 $0x1BF5;
	p2 =	por !p2, p0  }
0x20: {  	[sflag:s8] =	ssyncset.s32 @!p0 $0xFFFFF086;
	s6 =	sadd.s32 @!p0 s3, s7;
	s7 =	simm.s32 @!p0 $0x108  }
0x21: {  	s3 =	sadd.s32 s3, s9;
	s6 =	sadd.s32 @!p0 $0x88, s6;
	s7 =	simm.s32 @p2 $0x1082  }
0x22: {  	[simem:s7], [sflag:s8] =	dma.local @!p0 [hbm:s6], $0xF7A  }
0x23: {  	s9 =	sor.u32 $0xD0000000, s2;
	s6 =	simm.s32 $0x108;
	_ =	swait.ge @!p0 [sflag:s8], $0x0  }
0x24: {  	s3 =	sadd.s32 $0x88, s3;
	s6 =	simm.s32 @!p1 $0x1082;
	[sflag:s4] =	ssyncset.s32 $0xFFFFF086  }
0x25: {  	[simem:s6], [sflag:s4] =	dma.local [hbm:s3], $0xF7A  }
0x26: {  	[smem:$0x3F99] =	sst s1;
	(tag) =	ssettag s2;
	_ =	strace s9  }
0x27: {  	s1 =	sld [smem:$0x3FA9]  }
0x28: {  	s2 =	sld [smem:$0x3FAA]  }
0x29: {  	s4 =	sld [smem:$0x3FAC]  }
0x2a: {  	p0 =	seq.s32 s5, $0x0;
	s5 =	sld [smem:$0x3FAD]  }
0x2b: {  	s6 =	sld [smem:$0x3FAE]  }
0x2c: {  	s7 =	sld [smem:$0x3FAF]  }
0x2d: {  	s3 =	simm.s32 $0x108;
	s8 =	sld [smem:$0x3FB0]  }
0x2e: {  	s3 =	simm.s32 @!p0 $0x1082;
	s9 =	sld [smem:$0x3FB1]  }
0x2f: {  	lr =	sadd.s32 s0, s3;
	s0 =	sld [smem:$0x3FA8]  }
0x30: {  	s3 =	sld [smem:$0x3FAB]  }
0x31: {  	[smem:$0x3FB4] =	sst s10  }
0x32: {  	s10 =	sld [smem:$0x3FB2];
	_ =	sdelay $0x3  }
0x33: {  	p0 =	seq.s32 s10, $0x1;
	s10 =	sld [smem:$0x3FB4];
	_ =	sdelay $0x3  }
0x34: {  	[smem:$0x3FB4] =	sst s10  }
0x35: {  	s10 =	sld [smem:$0x3FB3];
	_ =	sdelay $0x3  }
0x36: {  	p1 =	seq.s32 s10, $0x1;
	s10 =	sld [smem:$0x3FB4];
	_ =	sdelay $0x3  }
0x37: {  	[smem:$0x3FB4] =	sst s10  }
0x38: {  	s10 =	sld [smem:$0x3FB5]  }
0x39: {  	_ = 	snop;
	(pc) =	sbr.ind lr, $3  }
0x3a: {  	_ = 	snop  }
0x3b: {  	_ = 	snop  }
0x3c: {  	p2 =	seq.s32 s10, $0x1;
	s10 =	sld [smem:$0x3FB4]  }
0x3d: {  	_ =	shalt  }
0x3e: {  	_ =	shalt  }
0x3f: {  	_ =	shalt  }
0x40: {  	_ =	shalt  }
0x41: {  	_ =	shalt  }
0x42: {  	_ =	shalt  }
0x43: {  	_ =	shalt  }
0x44: {  	_ =	shalt  }
0x45: {  	_ =	shalt  }
0x46: {  	_ =	shalt  }
0x47: {  	_ =	shalt  }
0x48: {  	_ =	shalt  }
0x49: {  	_ =	shalt  }
0x4a: {  	_ =	shalt  }
0x4b: {  	_ =	shalt  }
0x4c: {  	_ =	shalt  }
0x4d: {  	_ =	shalt  }
0x4e: {  	_ =	shalt  }
0x4f: {  	_ =	shalt  }
0x50: {  	_ =	shalt  }
0x51: {  	_ =	shalt  }
0x52: {  	_ =	shalt  }
0x53: {  	_ =	shalt  }
0x54: {  	_ =	shalt  }
0x55: {  	_ =	shalt  }
0x56: {  	_ =	shalt  }
0x57: {  	_ =	shalt  }
0x58: {  	_ =	shalt  }
0x59: {  	_ =	shalt  }
0x5a: {  	_ =	shalt  }
0x5b: {  	_ =	shalt  }
0x5c: {  	_ =	shalt  }
0x5d: {  	_ =	shalt  }
0x5e: {  	_ =	shalt  }
0x5f: {  	_ =	shalt  }
0x60: {  	_ =	shalt  }
0x61: {  	_ =	shalt  }
0x62: {  	_ =	shalt  }
0x63: {  	_ =	shalt  }
0x64: {  	_ =	shalt  }
0x65: {  	_ =	shalt  }
0x66: {  	_ =	shalt  }
0x67: {  	_ =	shalt  }
0x68: {  	_ =	shalt  }
0x69: {  	_ =	shalt  }
0x6a: {  	_ =	shalt  }
0x6b: {  	_ =	shalt  }
0x6c: {  	_ =	shalt  }
0x6d: {  	_ =	shalt  }
0x6e: {  	_ =	shalt  }
0x6f: {  	_ =	shalt  }
0x70: {  	_ =	shalt  }
0x71: {  	_ =	shalt  }
0x72: {  	_ =	shalt  }
0x73: {  	_ =	shalt  }
0x74: {  	_ =	shalt  }
0x75: {  	_ =	shalt  }
0x76: {  	_ =	shalt  }
0x77: {  	_ =	shalt  }
0x78: {  	_ =	shalt  }
0x79: {  	_ =	shalt  }
0x7a: {  	_ =	shalt  }
0x7b: {  	_ =	shalt  }
0x7c: {  	_ =	shalt  }
0x7d: {  	_ =	shalt  }
0x7e: {  	_ =	shalt  }
0x7f: {  	_ =	shalt  }
0x80: {  	_ =	shalt  }
0x81: {  	_ =	shalt  }
0x82: {  	_ =	shalt  }
0x83: {  	_ =	shalt  }
0x84: {  	_ =	shalt  }
0x85: {  	_ =	shalt  }
0x86: {  	_ =	shalt  }
0x87: {  	_ =	shalt  }
.Lfunc_end0:
.L_simem_size_0:
called_computation.1_lowered:
.L_overlay_start_0:
0x88: {  	s2 =	sld [smem:$0x3FD9]  }
0x89: {  	s3 =	sld [smem:$0x3FFE];
	_ =	sdelay $0x1  }
0x8a: {  	s1 =	srdreg.scid  }
0x8b: {  	s0 =	sand.u32 $0x1, s1  }
0x8c: {  	s17 =	sshll.u32 s0, $0xA;
	s2 =	sadd.s32 s3, s2  }
0x8d: {  	s2 =	sadd.s32 s2, s17  }
0x8e: {  	[smem:$0x3FC0] =	sst s2  }
0x8f: {  	_ = 	snop  }
0x90: {  	s2 =	sld [smem:$0x3FD0];
	(tm) =	ssettm $0x1  }
0x91: {  	s18 =	sld [smem:$0x3FFB];
	_ =	sdelay $0x3  }
0x92: {  	_ =	strace s18  }
0x93: {  	s3 =	sld [smem:$0x3FFC];
	_ =	sdelay $0x3  }
0x94: {  	_ =	strace s3  }
0x95: {  	s3 =	sld [smem:$0x3FFD];
	_ =	sdelay $0x3  }
0x96: {  	_ =	strace s3  }
0x97: {  	_ =	strace $0x8FFFFFFF  }
0x98: {  	s19 =	sld [smem:$0x3FDB];
	_ =	sdelay $0x1  }
0x99: {  	s4 =	simm.s32 $_scs_section_size  }
0x9a: {  	s5 =	simm.s32 $_size__tile_overlayer_lowered;
	s6 =	simm.s32 $_tile_overlayer_lowered  }
0x9b: {  	s22 =	simm.s32 $0x1BFF;
	s21 =	sshll.u32 s6, $0x1;
	s3 =	sadd.s32 s4, s19  }
0x9c: {  	s7 =	simm.s32 $0x0;
	s20 =	sshll.u32 s5, $0x1;
	s5 =	sadd.s32 s21, s3  }
0x9d: {  	[timem:s7], [sflag:s22] =	dma.local [hbm:s5], s20  }
0x9e: {  	_ =	swait.ge [sflag:s22], s20  }
0x9f: {  	s4 =	ssub.s32 $0x0, s20;
	[sflag:s22] =	ssyncset.done $0x0  }
0xa0: {  	[sflag:s22] =	ssyncadd.s32 s4;
	_ =	sdelay $0x1  }
0xa1: {  	s23 =	simm.s32 $0x1B8B  }
0xa2: {  	_ =	swait.ge [sflag:s23], $0x1  }
0xa3: {  	[sflag:s23] =	ssyncset.done $0x0  }
0xa4: {  	s25 =	simm.s32 $0x1B8E;
	s24 =	sld [smem:$0x3FFE];
	[sflag:s23] =	ssyncadd.s32 $0xFFFFFFFF  }
0xa5: {  	s26 =	simm.s32 $execute0_lowered;
	[smem:$0x3FD2] =	sst s25  }
0xa6: {  	s5 =	sshll.u32 s26, $0x1;
	_ =	strace $0x80000049;
	[dreg:$0x1] =	wrdreg $0xFFFFFFFF  }
0xa7: {  	s28 =	simm.s32 $_size_execute0_lowered;
	s3 =	sadd.s32 s3, s5;
	[dreg:$0x0] =	wrdreg $0x0  }
0xa8: {  	s5 =	sshll.u32 s28, $0x1;
	[dreg:$0x2] =	wrdreg s3  }
0xa9: {  	[dreg:$0x3] =	wrdreg s5  }
0xaa: {  	[dreg:$0x4] =	wrdreg $0xC0  }
0xab: {  	_ =	task [dreg:s7], $0x5FFFF  }
0xac: {  	[dreg:$0x1] =	wrdreg $0xFFFFFFFF  }
0xad: {  	[dreg:$0x0] =	wrdreg $0x60  }
0xae: {  	[dreg:$0x2] =	wrdreg s24  }
0xaf: {  	[dreg:$0x3] =	wrdreg s2  }
0xb0: {  	[dreg:$0x4] =	wrdreg $0x50000  }
0xb1: {  	[dreg:$0x5] =	wrdreg $0x9  }
0xb2: {  	_ =	task.clear_ibuf [dreg:s7], $0x6FFFF;
	_ =	strace $0x90000049  }
0xb3: {  	s29 =	simm.s32 $0x9;
	_ =	strace $0x8000004B  }
0xb4: {  	_ =	swait.ge [sflag:s29], $0x1  }
0xb5: {  	[sflag:s29] =	ssyncadd.s32 $0xFFFFFFFF  }
0xb6: {  	_ =	strace $0x9000004B  }
0xb7: {  	_ =	sfence  }
0xb8: {  	s30 =	sld [smem:$0x0];
	_ =	sdelay $0x2  }
0xb9: {  	s31 =	sshll.u32 s1, $0xD;
	s1 =	sshrl.u32 s1, $0x2  }
0xba: {  	s3 =	sand.u32 $0x4000, s31;
	s1 =	sadd.s32 s1, s30  }
0xbb: {  	s0 =	sor.u32 s3, s0;
	s1 =	sshll.u32 s1, $0x11  }
0xbc: {  	s0 =	sor.u32 s1, s0  }
0xbd: {  	s0 =	sadd.s32 $0x8F2B, s0  }
0xbe: {  	[sflag:s0] =	ssyncadd.remote.s32 $0x1  }
0xbf: {  	_ =	sfence.sel $0xFFFF  }
0xc0: {  	[dreg:$0x0] =	wrdreg $0xFFFFFFFF;
	(pc) =	sbr.abs _section_cstart, $3  }
0xc1: {  	[dreg:$0x1] =	wrdreg $0xFFFFFFFF  }
0xc2: {  	_ =	task.clear_ibuf [dreg:s7], $0x2FFFF;
	_ =	strace $0x9FFFFFFF  }
0xc3: {  	(tm) =	ssettm $0x7FFFFFFF  }
tec
execute0_lowered:
.L_overlay_start_1:
0x0: {  	(tag) =	ssettag $0x1  }
0x1: {  	s0 =	rddreg [dreg:$0x0]  }
0x2: {  	s8 =	rddreg [dreg:$0x1];
	s1 =	srdreg.scid  }
0x3: {  	s2 =	rddreg [dreg:$0x2];
	s25 =	stileid.u32  }
0x4: {  	s3 =	simm.s32 $0x0;
	s13 =	simm.s32 $0x80;
	s14 =	simm.s32 $0x800  }
0x5: {  	s15 =	simm.s32 $0x480;
	s16 =	simm.s32 $0x100;
	s17 =	simm.s32 $0x500  }
0x6: {  	s18 =	simm.s32 $0x180;
	s19 =	simm.s32 $0x580;
	s20 =	simm.s32 $0x200  }
0x7: {  	s21 =	simm.s32 $0x600;
	s22 =	simm.s32 $0x280;
	s23 =	simm.s32 $0x680  }
0x8: {  	s24 =	simm.s32 $0x300;
	s28 =	simm.s32 $0x780;
	s6 =	smul.u32 $0x14000, s25  }
0x9: {  	s29 =	simm.s32 $0x0;
	s5 =	sand.u32 $0x1, s1;
	s9 =	smul.u32 $0xA00, s25  }
0xa: {  	[smem:$0x7FF] =	sst s3;
	s7 =	smul.u32 $0x50000, s25;
	s25 =	simm.s32 $0x700  }
0xb: {  	s4 =	smul.u32 $0x140000, s5;
	_ =	strace $0x8000004A;
	s26 =	ssub.s32 $0x2, s5  }
0xc: {  	s12 =	smul.u32 $0x500, s5;
	s10 =	sadd.s32 s9, s0;
	s11 =	sshrl.u32 s26, $0x1  }
0xd: {  	s7 =	sshrl.u32 s7, $0x2;
	s30 =	sadd.s32 s9, s8;
	s4 =	sadd.s32 s6, s4  }
0xe: {  	s11 =	ssub.s32 s26, s11;
	s5 =	sadd.s32 s7, s2;
	s31 =	sadd.s32 s12, s10  }
0xf: {  	s8 =	sadd.s32 s12, s30;
	s10 =	simm.s32 $0x4800;
	s6 =	sshrl.u32 s4, $0x3  }
0x10: {  	s12 =	simm.s32 $0x400;
	s4 =	sadd.s32 $0x5CE00, s0;
	s0 =	sadd.s32 s6, s0  }
0x11: {  	s26 =	simm.s32 $0x380;
	s7 =	smax.u32 s11, $0x1;
	s0 =	sadd.s32 $0x84000, s0  }
0x12: {  	v0 =	vimm.f32 $0.0e+00;
	s9 =	sadd.s32 $0x2E00, s31;
	s11 =	simm.s32 $0x1;
	[dreg:$0x4] =	wrdreg s0  }
.LBB2_1:
0x13: {  	s30 =	simm.s32 $0x0;
	s31 =	simm.s32 $0x200  }
.LBB2_2:
0x14: {  	p0 =	sne.s32 s31, $0x1E00;
	[tilespmem:s30+$0x4870] =	vst v0  }
0x15: {  	[tilespmem:s30+$0x4800] =	vst v0  }
0x16: {  	[tilespmem:s30+$0x4810] =	vst v0  }
.Ltmp0:
0x17: {  	[tilespmem:s30+$0x4820] =	vst v0;
	(pc) =	sbr.rel @p0 .LBB2_2-.Ltmp0, $4  }
0x18: {  	[tilespmem:s30+$0x4830] =	vst v0  }
0x19: {  	[tilespmem:s30+$0x4840] =	vst v0  }
0x1a: {  	[tilespmem:s30+$0x4850] =	vst v0  }
0x1b: {  	[tilespmem:s30+$0x4860] =	vst v0;
	s30 =	sshra.s32 s31, $0x2;
	s31 =	sadd.s32 $0x200, s31  }
0x1c: {  	[tilespmem:s30+$0x4870] =	vst v0  }
0x1d: {  	[tilespmem:s30+$0x4800] =	vst v0  }
0x1e: {  	[tilespmem:s30+$0x4810] =	vst v0  }
0x1f: {  	[tilespmem:s30+$0x4820] =	vst v0  }
0x20: {  	[tilespmem:s30+$0x4830] =	vst v0  }
0x21: {  	[tilespmem:s30+$0x4840] =	vst v0  }
0x22: {  	[tilespmem:s30+$0x4850] =	vst v0  }
0x23: {  	[tilespmem:s30+$0x4860] =	vst v0;
	s0 =	sadd.s32 $0x0, s5  }
0x24: {  	[spmem:s0] =	stream.linear.scatter [tilespmem:s10], [sflag:$0x1], $0x800, $0x38;
	[tilespmem:$0x19000] =	vst v63  }
0x25: {  	s30 =	simm.s32 $0x2000;
	_ =	swait.ge [sflag:s11], $0x800  }
.LBB2_4:
0x26: {  	s0 =	sshra.s32 s30, $0x2;
	[sflag:s11] =	ssyncset.done $0x0;
	p0 =	sne.s32 s30, $0x4E000  }
.Ltmp1:
0x27: {  	s0 =	sadd.s32 s0, s5;
	[sflag:s11] =	ssyncadd.s32 $0xFFFFF800;
	(pc) =	sbr.rel @p0 .LBB2_4-.Ltmp1, $3  }
0x28: {  	[spmem:s0] =	stream.linear.scatter [tilespmem:s10], [sflag:$0x1], $0x800, $0x38;
	[tilespmem:$0x19000] =	vst v63  }
0x29: {  	s30 =	sadd.s32 $0x2000, s30;
	_ =	sdelay $0x1  }
0x2a: {  	_ =	swait.ge [sflag:s11], $0x800  }
0x2b: {  	[sflag:s11] =	ssyncset.done $0x0  }
0x2c: {  	[sflag:s11] =	ssyncadd.s32 $0xFFFFF800  }
0x2d: {  	s0 =	sadd.s32 $0x0, s9;
	[bflag:$0x0] =	sbarrier.arrive $0xFFFF  }
0x2e: {  	[tilespmem:s3], [sflag:$0x1] =	stream.linear.gather [hbm4b:s0+s3], $0x400, $0x38;
	[tilespmem:$0x19000] =	vst v63  }
0x2f: {  	_ =	swait.ge [sflag:s11], $0x400  }
0x30: {  	[sflag:s11] =	ssyncset.done $0x0  }
0x31: {  	s6 =	sadd.s32 $0x0, s8;
	[sflag:s11] =	ssyncadd.s32 $0xFFFFFC00  }
0x32: {  	[tilespmem:s12], [sflag:$0x1] =	stream.linear.gather [hbm4b:s6+s3], $0x400, $0x38;
	[tilespmem:$0x19000] =	vst v63  }
0x33: {  	_ =	swait.ge [sflag:s11], $0x400  }
0x34: {  	[sflag:s11] =	ssyncset.done $0x0  }
0x35: {  	[sflag:s11] =	ssyncadd.s32 $0xFFFFFC00  }
0x36: {  	[tilespmem:s14], [sflag:$0x1] =	stream.indirect.gather [hbm4b:s4+s13], $0x80, s3, s13, $0xb8;
	[tilespmem:$0x19000] =	vst v63  }
0x37: {  	_ =	swait.ge [sflag:s11], $0x4000  }
0x38: {  	[sflag:s11] =	ssyncset.done $0x0  }
0x39: {  	[sflag:s11] =	ssyncadd.s32 $0xFFFFC000  }
0x3a: {  	[spmem:s2] =	stream.indirect.scatter.add.f32 [tilespmem:s14], [sflag:$0x1], $0x80, s12, s13, $0xb8;
	[tilespmem:$0x19000] =	vst v63  }
0x3b: {  	_ =	swait.ge [sflag:s11], $0x4000  }
0x3c: {  	[sflag:s11] =	ssyncset.done $0x0  }
0x3d: {  	[sflag:s11] =	ssyncadd.s32 $0xFFFFC000  }
0x3e: {  	[tilespmem:s14], [sflag:$0x1] =	stream.indirect.gather [hbm4b:s4+s13], $0x80, s13, s13, $0xb8;
	[tilespmem:$0x19000] =	vst v63  }
0x3f: {  	_ =	swait.ge [sflag:s11], $0x4000  }
0x40: {  	[sflag:s11] =	ssyncset.done $0x0  }
0x41: {  	[sflag:s11] =	ssyncadd.s32 $0xFFFFC000  }
0x42: {  	[spmem:s2] =	stream.indirect.scatter.add.f32 [tilespmem:s14], [sflag:$0x1], $0x80, s15, s13, $0xb8;
	[tilespmem:$0x19000] =	vst v63  }
0x43: {  	_ =	swait.ge [sflag:s11], $0x4000  }
0x44: {  	[sflag:s11] =	ssyncset.done $0x0  }
0x45: {  	[sflag:s11] =	ssyncadd.s32 $0xFFFFC000  }
0x46: {  	[tilespmem:s14], [sflag:$0x1] =	stream.indirect.gather [hbm4b:s4+s13], $0x80, s16, s13, $0xb8;
	[tilespmem:$0x19000] =	vst v63  }
0x47: {  	_ =	swait.ge [sflag:s11], $0x4000  }
0x48: {  	[sflag:s11] =	ssyncset.done $0x0  }
0x49: {  	[sflag:s11] =	ssyncadd.s32 $0xFFFFC000  }
0x4a: {  	[spmem:s2] =	stream.indirect.scatter.add.f32 [tilespmem:s14], [sflag:$0x1], $0x80, s17, s13, $0xb8;
	[tilespmem:$0x19000] =	vst v63  }
0x4b: {  	_ =	swait.ge [sflag:s11], $0x4000  }
0x4c: {  	[sflag:s11] =	ssyncset.done $0x0  }
0x4d: {  	[sflag:s11] =	ssyncadd.s32 $0xFFFFC000  }
0x4e: {  	[tilespmem:s14], [sflag:$0x1] =	stream.indirect.gather [hbm4b:s4+s13], $0x80, s18, s13, $0xb8;
	[tilespmem:$0x19000] =	vst v63  }
0x4f: {  	_ =	swait.ge [sflag:s11], $0x4000  }
0x50: {  	[sflag:s11] =	ssyncset.done $0x0  }
0x51: {  	[sflag:s11] =	ssyncadd.s32 $0xFFFFC000  }
0x52: {  	[spmem:s2] =	stream.indirect.scatter.add.f32 [tilespmem:s14], [sflag:$0x1], $0x80, s19, s13, $0xb8;
	[tilespmem:$0x19000] =	vst v63  }
0x53: {  	_ =	swait.ge [sflag:s11], $0x4000  }
0x54: {  	[sflag:s11] =	ssyncset.done $0x0  }
0x55: {  	[sflag:s11] =	ssyncadd.s32 $0xFFFFC000  }
0x56: {  	[tilespmem:s14], [sflag:$0x1] =	stream.indirect.gather [hbm4b:s4+s13], $0x80, s20, s13, $0xb8;
	[tilespmem:$0x19000] =	vst v63  }
0x57: {  	_ =	swait.ge [sflag:s11], $0x4000  }
0x58: {  	[sflag:s11] =	ssyncset.done $0x0  }
0x59: {  	[sflag:s11] =	ssyncadd.s32 $0xFFFFC000  }
0x5a: {  	[spmem:s2] =	stream.indirect.scatter.add.f32 [tilespmem:s14], [sflag:$0x1], $0x80, s21, s13, $0xb8;
	[tilespmem:$0x19000] =	vst v63  }
0x5b: {  	_ =	swait.ge [sflag:s11], $0x4000  }
0x5c: {  	[sflag:s11] =	ssyncset.done $0x0  }
0x5d: {  	[sflag:s11] =	ssyncadd.s32 $0xFFFFC000  }
0x5e: {  	[tilespmem:s14], [sflag:$0x1] =	stream.indirect.gather [hbm4b:s4+s13], $0x80, s22, s13, $0xb8;
	[tilespmem:$0x19000] =	vst v63  }
0x5f: {  	_ =	swait.ge [sflag:s11], $0x4000  }
0x60: {  	[sflag:s11] =	ssyncset.done $0x0  }
0x61: {  	[sflag:s11] =	ssyncadd.s32 $0xFFFFC000  }
0x62: {  	[spmem:s2] =	stream.indirect.scatter.add.f32 [tilespmem:s14], [sflag:$0x1], $0x80, s23, s13, $0xb8;
	[tilespmem:$0x19000] =	vst v63  }
0x63: {  	_ =	swait.ge [sflag:s11], $0x4000  }
0x64: {  	[sflag:s11] =	ssyncset.done $0x0  }
0x65: {  	[sflag:s11] =	ssyncadd.s32 $0xFFFFC000  }
0x66: {  	[tilespmem:s14], [sflag:$0x1] =	stream.indirect.gather [hbm4b:s4+s13], $0x80, s24, s13, $0xb8;
	[tilespmem:$0x19000] =	vst v63  }
0x67: {  	_ =	swait.ge [sflag:s11], $0x4000  }
0x68: {  	[sflag:s11] =	ssyncset.done $0x0  }
0x69: {  	[sflag:s11] =	ssyncadd.s32 $0xFFFFC000  }
0x6a: {  	[spmem:s2] =	stream.indirect.scatter.add.f32 [tilespmem:s14], [sflag:$0x1], $0x80, s25, s13, $0xb8;
	[tilespmem:$0x19000] =	vst v63  }
0x6b: {  	_ =	swait.ge [sflag:s11], $0x4000  }
0x6c: {  	[sflag:s11] =	ssyncset.done $0x0  }
0x6d: {  	[sflag:s11] =	ssyncadd.s32 $0xFFFFC000  }
0x6e: {  	[tilespmem:s14], [sflag:$0x1] =	stream.indirect.gather [hbm4b:s4+s13], $0x80, s26, s13, $0xb8;
	[tilespmem:$0x19000] =	vst v63  }
0x6f: {  	_ =	swait.ge [sflag:s11], $0x4000  }
0x70: {  	[sflag:s11] =	ssyncset.done $0x0  }
0x71: {  	[sflag:s11] =	ssyncadd.s32 $0xFFFFC000  }
0x72: {  	[spmem:s2] =	stream.indirect.scatter.add.f32 [tilespmem:s14], [sflag:$0x1], $0x80, s28, s13, $0xb8;
	[tilespmem:$0x19000] =	vst v63  }
0x73: {  	_ =	swait.ge [sflag:s11], $0x4000  }
0x74: {  	s30 =	simm.s32 $0x80;
	s31 =	simm.s32 $0x100;
	[sflag:s11] =	ssyncset.done $0x0  }
.LBB2_6:
0x75: {  	s1 =	sadd.s32 s30, s9  }
0x76: {  	[sflag:s11] =	ssyncadd.s32 $0xFFFFC000;
	s6 =	smov.u32 s31;
	s0 =	sadd.s32 $0x80, s31  }
0x77: {  	[tilespmem:s3], [sflag:$0x1] =	stream.linear.gather [hbm4b:s1+s3], $0x400, $0x38;
	[tilespmem:$0x19000] =	vst v63  }
0x78: {  	p0 =	sne.s32 s31, $0x480;
	_ =	swait.ge [sflag:s11], $0x400  }
0x79: {  	[sflag:s11] =	ssyncset.done $0x0  }
0x7a: {  	s1 =	sadd.s32 s30, s8;
	s30 =	smov.u32 s6;
	[sflag:s11] =	ssyncadd.s32 $0xFFFFFC00  }
0x7b: {  	[tilespmem:s12], [sflag:$0x1] =	stream.linear.gather [hbm4b:s1+s3], $0x400, $0x38;
	[tilespmem:$0x19000] =	vst v63  }
0x7c: {  	_ =	swait.ge [sflag:s11], $0x400  }
0x7d: {  	[sflag:s11] =	ssyncset.done $0x0  }
0x7e: {  	[sflag:s11] =	ssyncadd.s32 $0xFFFFFC00  }
0x7f: {  	[tilespmem:s14], [sflag:$0x1] =	stream.indirect.gather [hbm4b:s4+s13], $0x80, s3, s13, $0xb8;
	[tilespmem:$0x19000] =	vst v63  }
0x80: {  	_ =	swait.ge [sflag:s11], $0x4000  }
0x81: {  	[sflag:s11] =	ssyncset.done $0x0  }
0x82: {  	[sflag:s11] =	ssyncadd.s32 $0xFFFFC000  }
0x83: {  	[spmem:s2] =	stream.indirect.scatter.add.f32 [tilespmem:s14], [sflag:$0x1], $0x80, s12, s13, $0xb8;
	[tilespmem:$0x19000] =	vst v63  }
0x84: {  	_ =	swait.ge [sflag:s11], $0x4000  }
0x85: {  	[sflag:s11] =	ssyncset.done $0x0  }
0x86: {  	[sflag:s11] =	ssyncadd.s32 $0xFFFFC000  }
0x87: {  	[tilespmem:s14], [sflag:$0x1] =	stream.indirect.gather [hbm4b:s4+s13], $0x80, s13, s13, $0xb8;
	[tilespmem:$0x19000] =	vst v63  }
0x88: {  	_ =	swait.ge [sflag:s11], $0x4000  }
0x89: {  	[sflag:s11] =	ssyncset.done $0x0  }
0x8a: {  	[sflag:s11] =	ssyncadd.s32 $0xFFFFC000  }
0x8b: {  	[spmem:s2] =	stream.indirect.scatter.add.f32 [tilespmem:s14], [sflag:$0x1], $0x80, s15, s13, $0xb8;
	[tilespmem:$0x19000] =	vst v63  }
0x8c: {  	_ =	swait.ge [sflag:s11], $0x4000  }
0x8d: {  	[sflag:s11] =	ssyncset.done $0x0  }
0x8e: {  	[sflag:s11] =	ssyncadd.s32 $0xFFFFC000  }
0x8f: {  	[tilespmem:s14], [sflag:$0x1] =	stream.indirect.gather [hbm4b:s4+s13], $0x80, s16, s13, $0xb8;
	[tilespmem:$0x19000] =	vst v63  }
0x90: {  	_ =	swait.ge [sflag:s11], $0x4000  }
0x91: {  	[sflag:s11] =	ssyncset.done $0x0  }
0x92: {  	[sflag:s11] =	ssyncadd.s32 $0xFFFFC000  }
0x93: {  	[spmem:s2] =	stream.indirect.scatter.add.f32 [tilespmem:s14], [sflag:$0x1], $0x80, s17, s13, $0xb8;
	[tilespmem:$0x19000] =	vst v63  }
0x94: {  	_ =	swait.ge [sflag:s11], $0x4000  }
0x95: {  	[sflag:s11] =	ssyncset.done $0x0  }
0x96: {  	[sflag:s11] =	ssyncadd.s32 $0xFFFFC000  }
0x97: {  	[tilespmem:s14], [sflag:$0x1] =	stream.indirect.gather [hbm4b:s4+s13], $0x80, s18, s13, $0xb8;
	[tilespmem:$0x19000] =	vst v63  }
0x98: {  	_ =	swait.ge [sflag:s11], $0x4000  }
0x99: {  	[sflag:s11] =	ssyncset.done $0x0  }
0x9a: {  	[sflag:s11] =	ssyncadd.s32 $0xFFFFC000  }
0x9b: {  	[spmem:s2] =	stream.indirect.scatter.add.f32 [tilespmem:s14], [sflag:$0x1], $0x80, s19, s13, $0xb8;
	[tilespmem:$0x19000] =	vst v63  }
0x9c: {  	_ =	swait.ge [sflag:s11], $0x4000  }
0x9d: {  	[sflag:s11] =	ssyncset.done $0x0  }
0x9e: {  	[sflag:s11] =	ssyncadd.s32 $0xFFFFC000  }
0x9f: {  	[tilespmem:s14], [sflag:$0x1] =	stream.indirect.gather [hbm4b:s4+s13], $0x80, s20, s13, $0xb8;
	[tilespmem:$0x19000] =	vst v63  }
0xa0: {  	_ =	swait.ge [sflag:s11], $0x4000  }
0xa1: {  	[sflag:s11] =	ssyncset.done $0x0  }
0xa2: {  	[sflag:s11] =	ssyncadd.s32 $0xFFFFC000  }
0xa3: {  	[spmem:s2] =	stream.indirect.scatter.add.f32 [tilespmem:s14], [sflag:$0x1], $0x80, s21, s13, $0xb8;
	[tilespmem:$0x19000] =	vst v63  }
0xa4: {  	_ =	swait.ge [sflag:s11], $0x4000  }
0xa5: {  	[sflag:s11] =	ssyncset.done $0x0  }
0xa6: {  	[sflag:s11] =	ssyncadd.s32 $0xFFFFC000  }
0xa7: {  	[tilespmem:s14], [sflag:$0x1] =	stream.indirect.gather [hbm4b:s4+s13], $0x80, s22, s13, $0xb8;
	[tilespmem:$0x19000] =	vst v63  }
0xa8: {  	_ =	swait.ge [sflag:s11], $0x4000  }
0xa9: {  	[sflag:s11] =	ssyncset.done $0x0  }
0xaa: {  	[sflag:s11] =	ssyncadd.s32 $0xFFFFC000  }
0xab: {  	[spmem:s2] =	stream.indirect.scatter.add.f32 [tilespmem:s14], [sflag:$0x1], $0x80, s23, s13, $0xb8;
	[tilespmem:$0x19000] =	vst v63  }
0xac: {  	_ =	swait.ge [sflag:s11], $0x4000  }
0xad: {  	[sflag:s11] =	ssyncset.done $0x0  }
0xae: {  	[sflag:s11] =	ssyncadd.s32 $0xFFFFC000  }
0xaf: {  	[tilespmem:s14], [sflag:$0x1] =	stream.indirect.gather [hbm4b:s4+s13], $0x80, s24, s13, $0xb8;
	[tilespmem:$0x19000] =	vst v63  }
0xb0: {  	_ =	swait.ge [sflag:s11], $0x4000  }
0xb1: {  	[sflag:s11] =	ssyncset.done $0x0  }
0xb2: {  	[sflag:s11] =	ssyncadd.s32 $0xFFFFC000  }
0xb3: {  	[spmem:s2] =	stream.indirect.scatter.add.f32 [tilespmem:s14], [sflag:$0x1], $0x80, s25, s13, $0xb8;
	[tilespmem:$0x19000] =	vst v63  }
0xb4: {  	_ =	swait.ge [sflag:s11], $0x4000  }
0xb5: {  	[sflag:s11] =	ssyncset.done $0x0  }
0xb6: {  	[sflag:s11] =	ssyncadd.s32 $0xFFFFC000  }
0xb7: {  	[tilespmem:s14], [sflag:$0x1] =	stream.indirect.gather [hbm4b:s4+s13], $0x80, s26, s13, $0xb8;
	[tilespmem:$0x19000] =	vst v63  }
0xb8: {  	_ =	swait.ge [sflag:s11], $0x4000  }
.Ltmp2:
0xb9: {  	[sflag:s11] =	ssyncset.done $0x0;
	(pc) =	sbr.rel @p0 .LBB2_6-.Ltmp2, $4  }
0xba: {  	[sflag:s11] =	ssyncadd.s32 $0xFFFFC000  }
0xbb: {  	[spmem:s2] =	stream.indirect.scatter.add.f32 [tilespmem:s14], [sflag:$0x1], $0x80, s28, s13, $0xb8;
	[tilespmem:$0x19000] =	vst v63  }
0xbc: {  	_ =	swait.ge [sflag:s11], $0x4000  }
0xbd: {  	s31 =	smov.u32 s0;
	[sflag:s11] =	ssyncset.done $0x0  }
0xbe: {  	s0 =	sadd.s32 s30, s9;
	[sflag:s11] =	ssyncadd.s32 $0xFFFFC000  }
0xbf: {  	[tilespmem:s3], [sflag:$0x1] =	stream.linear.gather [hbm4b:s0+s3], $0x400, $0x38;
	[tilespmem:$0x19000] =	vst v63  }
0xc0: {  	_ =	swait.ge [sflag:s11], $0x400  }
0xc1: {  	[sflag:s11] =	ssyncset.done $0x0  }
0xc2: {  	s30 =	sadd.s32 s30, s8;
	[sflag:s11] =	ssyncadd.s32 $0xFFFFFC00  }
0xc3: {  	[tilespmem:s12], [sflag:$0x1] =	stream.linear.gather [hbm4b:s30+s3], $0x400, $0x38;
	[tilespmem:$0x19000] =	vst v63  }
0xc4: {  	_ =	swait.ge [sflag:s11], $0x400  }
0xc5: {  	[sflag:s11] =	ssyncset.done $0x0  }
0xc6: {  	[sflag:s11] =	ssyncadd.s32 $0xFFFFFC00  }
0xc7: {  	[tilespmem:s14], [sflag:$0x1] =	stream.indirect.gather [hbm4b:s4+s13], $0x80, s3, s13, $0xb8;
	[tilespmem:$0x19000] =	vst v63  }
0xc8: {  	_ =	swait.ge [sflag:s11], $0x4000  }
0xc9: {  	[sflag:s11] =	ssyncset.done $0x0  }
0xca: {  	[sflag:s11] =	ssyncadd.s32 $0xFFFFC000  }
0xcb: {  	[spmem:s2] =	stream.indirect.scatter.add.f32 [tilespmem:s14], [sflag:$0x1], $0x80, s12, s13, $0xb8;
	[tilespmem:$0x19000] =	vst v63  }
0xcc: {  	_ =	swait.ge [sflag:s11], $0x4000  }
0xcd: {  	[sflag:s11] =	ssyncset.done $0x0  }
0xce: {  	[sflag:s11] =	ssyncadd.s32 $0xFFFFC000  }
0xcf: {  	[tilespmem:s14], [sflag:$0x1] =	stream.indirect.gather [hbm4b:s4+s13], $0x80, s13, s13, $0xb8;
	[tilespmem:$0x19000] =	vst v63  }
0xd0: {  	_ =	swait.ge [sflag:s11], $0x4000  }
0xd1: {  	[sflag:s11] =	ssyncset.done $0x0  }
0xd2: {  	[sflag:s11] =	ssyncadd.s32 $0xFFFFC000  }
0xd3: {  	[spmem:s2] =	stream.indirect.scatter.add.f32 [tilespmem:s14], [sflag:$0x1], $0x80, s15, s13, $0xb8;
	[tilespmem:$0x19000] =	vst v63  }
0xd4: {  	_ =	swait.ge [sflag:s11], $0x4000  }
0xd5: {  	[sflag:s11] =	ssyncset.done $0x0  }
0xd6: {  	[sflag:s11] =	ssyncadd.s32 $0xFFFFC000  }
0xd7: {  	[tilespmem:s14], [sflag:$0x1] =	stream.indirect.gather [hbm4b:s4+s13], $0x80, s16, s13, $0xb8;
	[tilespmem:$0x19000] =	vst v63  }
0xd8: {  	_ =	swait.ge [sflag:s11], $0x4000  }
0xd9: {  	[sflag:s11] =	ssyncset.done $0x0  }
0xda: {  	[sflag:s11] =	ssyncadd.s32 $0xFFFFC000  }
0xdb: {  	[spmem:s2] =	stream.indirect.scatter.add.f32 [tilespmem:s14], [sflag:$0x1], $0x80, s17, s13, $0xb8;
	[tilespmem:$0x19000] =	vst v63  }
0xdc: {  	_ =	swait.ge [sflag:s11], $0x4000  }
0xdd: {  	[sflag:s11] =	ssyncset.done $0x0  }
0xde: {  	[sflag:s11] =	ssyncadd.s32 $0xFFFFC000  }
0xdf: {  	[tilespmem:s14], [sflag:$0x1] =	stream.indirect.gather [hbm4b:s4+s13], $0x80, s18, s13, $0xb8;
	[tilespmem:$0x19000] =	vst v63  }
0xe0: {  	_ =	swait.ge [sflag:s11], $0x4000  }
0xe1: {  	[sflag:s11] =	ssyncset.done $0x0  }
0xe2: {  	[sflag:s11] =	ssyncadd.s32 $0xFFFFC000  }
0xe3: {  	[spmem:s2] =	stream.indirect.scatter.add.f32 [tilespmem:s14], [sflag:$0x1], $0x80, s19, s13, $0xb8;
	[tilespmem:$0x19000] =	vst v63  }
0xe4: {  	_ =	swait.ge [sflag:s11], $0x4000  }
0xe5: {  	[sflag:s11] =	ssyncset.done $0x0  }
0xe6: {  	[sflag:s11] =	ssyncadd.s32 $0xFFFFC000  }
0xe7: {  	[tilespmem:s14], [sflag:$0x1] =	stream.indirect.gather [hbm4b:s4+s13], $0x80, s20, s13, $0xb8;
	[tilespmem:$0x19000] =	vst v63  }
0xe8: {  	_ =	swait.ge [sflag:s11], $0x4000  }
0xe9: {  	[sflag:s11] =	ssyncset.done $0x0  }
0xea: {  	[sflag:s11] =	ssyncadd.s32 $0xFFFFC000  }
0xeb: {  	[spmem:s2] =	stream.indirect.scatter.add.f32 [tilespmem:s14], [sflag:$0x1], $0x80, s21, s13, $0xb8;
	[tilespmem:$0x19000] =	vst v63  }
0xec: {  	_ =	swait.ge [sflag:s11], $0x4000  }
0xed: {  	[sflag:s11] =	ssyncset.done $0x0  }
0xee: {  	[sflag:s11] =	ssyncadd.s32 $0xFFFFC000  }
0xef: {  	[tilespmem:s14], [sflag:$0x1] =	stream.indirect.gather [hbm4b:s4+s13], $0x80, s22, s13, $0xb8;
	[tilespmem:$0x19000] =	vst v63  }
0xf0: {  	_ =	swait.ge [sflag:s11], $0x4000  }
0xf1: {  	[sflag:s11] =	ssyncset.done $0x0  }
0xf2: {  	[sflag:s11] =	ssyncadd.s32 $0xFFFFC000  }
0xf3: {  	[spmem:s2] =	stream.indirect.scatter.add.f32 [tilespmem:s14], [sflag:$0x1], $0x80, s23, s13, $0xb8;
	[tilespmem:$0x19000] =	vst v63  }
0xf4: {  	_ =	swait.ge [sflag:s11], $0x4000  }
0xf5: {  	[sflag:s11] =	ssyncset.done $0x0  }
0xf6: {  	[sflag:s11] =	ssyncadd.s32 $0xFFFFC000  }
0xf7: {  	[tilespmem:s14], [sflag:$0x1] =	stream.indirect.gather [hbm4b:s4+s13], $0x80, s24, s13, $0xb8;
	[tilespmem:$0x19000] =	vst v63  }
0xf8: {  	_ =	swait.ge [sflag:s11], $0x4000  }
0xf9: {  	[sflag:s11] =	ssyncset.done $0x0  }
0xfa: {  	[sflag:s11] =	ssyncadd.s32 $0xFFFFC000  }
0xfb: {  	[spmem:s2] =	stream.indirect.scatter.add.f32 [tilespmem:s14], [sflag:$0x1], $0x80, s25, s13, $0xb8;
	[tilespmem:$0x19000] =	vst v63  }
0xfc: {  	_ =	swait.ge [sflag:s11], $0x4000  }
0xfd: {  	[sflag:s11] =	ssyncset.done $0x0  }
0xfe: {  	[sflag:s11] =	ssyncadd.s32 $0xFFFFC000  }
0xff: {  	[tilespmem:s14], [sflag:$0x1] =	stream.indirect.gather [hbm4b:s4+s13], $0x80, s26, s13, $0xb8;
	[tilespmem:$0x19000] =	vst v63  }
0x100: {  	_ =	swait.ge [sflag:s11], $0x4000  }
0x101: {  	[sflag:s11] =	ssyncset.done $0x0  }
0x102: {  	[sflag:s11] =	ssyncadd.s32 $0xFFFFC000  }
0x103: {  	[spmem:s2] =	stream.indirect.scatter.add.f32 [tilespmem:s14], [sflag:$0x1], $0x80, s28, s13, $0xb8;
	[tilespmem:$0x19000] =	vst v63  }
0x104: {  	_ =	swait.ge [sflag:s11], $0x4000  }
0x105: {  	s31 =	stileid.u32;
	[sflag:s11] =	ssyncset.done $0x0  }
0x106: {  	s1 =	sshrl.u32 s5, $0x3;
	s29 =	sadd.s32 $0x1, s29;
	[sflag:s11] =	ssyncadd.s32 $0xFFFFC000  }
0x107: {  	s0 =	sshll.u32 s31, $0x6;
	p0 =	sne.s32 s29, s7;
	[bflag:$0x0] =	sbarrier.arrive $0xFFFF  }
.Ltmp3:
0x108: {  	s0 =	sor.u32 $0x1C01, s0;
	s6 =	rddreg [dreg:$0x4];
	(pc) =	sbr.rel @p0 .LBB2_1-.Ltmp3, $4  }
0x109: {  	[hbm:s6], [sflag:s0] =	dma.local [spmem:s1], $0x2800  }
0x10a: {  	_ =	swait.ge [sflag:s11], $0x2800  }
0x10b: {  	[sflag:s11] =	ssyncset.done $0x0  }
0x10c: {  	[sflag:s11] =	ssyncadd.s32 $0xFFFFD800  }
0x10d: {  	_ =	sfence.sel $0x180000  }
0x10e: {  	[bflag:$0x0] =	sbarrier.arrive $0xFFFF  }
0x10f: {  	_ =	strace $0x9000004A  }
0x110: {  	s0 =	stileid.u32;
	[bflag:$0x2] =	sbarrier.arrive $0xFFFF  }
0x111: {  	p0 =	sne.s32 s0, $0x0;
	s0 =	rddreg [dreg:$0x3]  }
0x112: {  	s0 =	sadd.s32 @!p0 $0x100000, s0  }
0x113: {  	[sflag:s0] =	ssyncadd.tile.s32 @!p0 $0x1;
	_ =	shalt  }
.Lfunc_end2:
_tile_overlayer_lowered:
.L_overlay_start_2:
0x114: {  	(tag) =	ssettag $0x2  }
0x115: {  	s0 =	rddreg [dreg:$0x0];
	s2 =	stileid.u32  }
0x116: {  	s1 =	rddreg [dreg:$0x1];
	p0 =	sne.s32 s2, $0x0  }
0x117: {  	s3 =	rddreg [dreg:$0x2];
	[bflag:$0x3] =	sbarrier.arrive $0xFFFF;
	s2 =	simm.s32 @!p0 $0x1C01  }
0x118: {  	[timem:s3], [sflag:s2] =	dma.local @!p0 [hbm:s0], s1  }
0x119: {  	s0 =	simm.s32 @!p0 $0x1  }
0x11a: {  	_ =	swait.ge @!p0 [sflag:s0], s1  }
0x11b: {  	s1 =	ssub.s32 @!p0 $0x0, s1;
	[sflag:s0] =	ssyncset.done @!p0 $0x0  }
0x11c: {  	[sflag:s0] =	ssyncadd.s32 @!p0 s1  }
0x11d: {  	[bflag:$0x3] =	sbarrier.arrive $0xFFFF  }
0x11e: {  	_ =	shalt  }

// kernel: kernel.15.cloned.1.call-start
scs
__scs_entry_jumppad:
0x0: {  	(pc) =	sbr.rel $0x88, $3  }
0x1: {  	(tag) =	ssettag $0x0;
	lr =	simm.s32 $0x1  }
0x2: {  	[smem:$0x3F99] =	sst lr;
	_ =	strace $0xD0000000  }
0x3: {  	_ = 	snop  }
0x4: {  	_ = 	snop  }
0x5: {  	_ = 	snop  }
0x6: {  	_ = 	snop  }
0x7: {  	_ = 	snop  }
__scs_overlays_trampoline_lowered:
0x8: {  	[smem:$0x3FA8] =	sst s0  }
0x9: {  	[smem:$0x3FA9] =	sst s1  }
0xa: {  	[smem:$0x3FAA] =	sst s2  }
0xb: {  	[smem:$0x3FAB] =	sst s3  }
0xc: {  	[smem:$0x3FAC] =	sst s4  }
0xd: {  	[smem:$0x3FAD] =	sst s5  }
0xe: {  	[smem:$0x3FAE] =	sst s6  }
0xf: {  	[smem:$0x3FAF] =	sst s7  }
0x10: {  	[smem:$0x3FB0] =	sst s8  }
0x11: {  	[smem:$0x3FB1] =	sst s9;
	s0 =	simm.s32 @!p0 $0x0  }
0x12: {  	s1 =	sld [smem:$0x3F97];
	s0 =	simm.s32 @p0 $0x1  }
0x13: {  	[smem:$0x3FB2] =	sst s0;
	s0 =	simm.s32 @!p1 $0x0  }
0x14: {  	s2 =	sld [smem:$0x3F96];
	s0 =	simm.s32 @p1 $0x1  }
0x15: {  	[smem:$0x3FB3] =	sst s0;
	s0 =	simm.s32 @!p2 $0x0  }
0x16: {  	s3 =	sld [smem:$0x3FDB];
	s0 =	simm.s32 @p2 $0x1  }
0x17: {  	s4 =	simm.s32 $0x1BF5;
	[smem:$0x3FB5] =	sst s0  }
0x18: {  	s0 =	sld [smem:$0x3F98];
	_ =	swait.ge [sflag:s4], $0x0  }
0x19: {  	s7 =	sld [smem:$0x3F99]  }
0x1a: {  	s8 =	sadd.s32 $0xFFFFE003, lr  }
0x1b: {  	s9 =	sadd.s32 $0xFFFFFEF7, lr;
	s5 =	simm.s32 $0xFFFFFFFF;
	p2 =	slt.u32 s8, $0xFFFFF086  }
0x1c: {  	p1 =	slt.u32 s9, $0xF7A;
	s5 =	simm.s32 @!p2 $0x0  }
0x1d: {  	s5 =	simm.s32 @p1 $0x1;
	p0 =	seq.s32 s7, s2  }
0x1e: {  	s7 =	smul.u32 @!p0 $0xF7A, s2;
	p2 =	seq.s32 @!p0 s5, $0x0  }
0x1f: {  	s9 =	smul.u32 $0xF7A, s1;
	s8 =	simm.s32 @!p0 $0x1BF5;
	p2 =	por !p2, p0  }
0x20: {  	[sflag:s8] =	ssyncset.s32 @!p0 $0xFFFFF086;
	s6 =	sadd.s32 @!p0 s3, s7;
	s7 =	simm.s32 @!p0 $0x108  }
0x21: {  	s3 =	sadd.s32 s3, s9;
	s6 =	sadd.s32 @!p0 $0x88, s6;
	s7 =	simm.s32 @p2 $0x1082  }
0x22: {  	[simem:s7], [sflag:s8] =	dma.local @!p0 [hbm:s6], $0xF7A  }
0x23: {  	s9 =	sor.u32 $0xD0000000, s2;
	s6 =	simm.s32 $0x108;
	_ =	swait.ge @!p0 [sflag:s8], $0x0  }
0x24: {  	s3 =	sadd.s32 $0x88, s3;
	s6 =	simm.s32 @!p1 $0x1082;
	[sflag:s4] =	ssyncset.s32 $0xFFFFF086  }
0x25: {  	[simem:s6], [sflag:s4] =	dma.local [hbm:s3], $0xF7A  }
0x26: {  	[smem:$0x3F99] =	sst s1;
	(tag) =	ssettag s2;
	_ =	strace s9  }
0x27: {  	s1 =	sld [smem:$0x3FA9]  }
0x28: {  	s2 =	sld [smem:$0x3FAA]  }
0x29: {  	s4 =	sld [smem:$0x3FAC]  }
0x2a: {  	p0 =	seq.s32 s5, $0x0;
	s5 =	sld [smem:$0x3FAD]  }
0x2b: {  	s6 =	sld [smem:$0x3FAE]  }
0x2c: {  	s7 =	sld [smem:$0x3FAF]  }
0x2d: {  	s3 =	simm.s32 $0x108;
	s8 =	sld [smem:$0x3FB0]  }
0x2e: {  	s3 =	simm.s32 @!p0 $0x1082;
	s9 =	sld [smem:$0x3FB1]  }
0x2f: {  	lr =	sadd.s32 s0, s3;
	s0 =	sld [smem:$0x3FA8]  }
0x30: {  	s3 =	sld [smem:$0x3FAB]  }
0x31: {  	[smem:$0x3FB4] =	sst s10  }
0x32: {  	s10 =	sld [smem:$0x3FB2];
	_ =	sdelay $0x3  }
0x33: {  	p0 =	seq.s32 s10, $0x1;
	s10 =	sld [smem:$0x3FB4];
	_ =	sdelay $0x3  }
0x34: {  	[smem:$0x3FB4] =	sst s10  }
0x35: {  	s10 =	sld [smem:$0x3FB3];
	_ =	sdelay $0x3  }
0x36: {  	p1 =	seq.s32 s10, $0x1;
	s10 =	sld [smem:$0x3FB4];
	_ =	sdelay $0x3  }
0x37: {  	[smem:$0x3FB4] =	sst s10  }
0x38: {  	s10 =	sld [smem:$0x3FB5]  }
0x39: {  	_ = 	snop;
	(pc) =	sbr.ind lr, $3  }
0x3a: {  	_ = 	snop  }
0x3b: {  	_ = 	snop  }
0x3c: {  	p2 =	seq.s32 s10, $0x1;
	s10 =	sld [smem:$0x3FB4]  }
0x3d: {  	_ =	shalt  }
0x3e: {  	_ =	shalt  }
0x3f: {  	_ =	shalt  }
0x40: {  	_ =	shalt  }
0x41: {  	_ =	shalt  }
0x42: {  	_ =	shalt  }
0x43: {  	_ =	shalt  }
0x44: {  	_ =	shalt  }
0x45: {  	_ =	shalt  }
0x46: {  	_ =	shalt  }
0x47: {  	_ =	shalt  }
0x48: {  	_ =	shalt  }
0x49: {  	_ =	shalt  }
0x4a: {  	_ =	shalt  }
0x4b: {  	_ =	shalt  }
0x4c: {  	_ =	shalt  }
0x4d: {  	_ =	shalt  }
0x4e: {  	_ =	shalt  }
0x4f: {  	_ =	shalt  }
0x50: {  	_ =	shalt  }
0x51: {  	_ =	shalt  }
0x52: {  	_ =	shalt  }
0x53: {  	_ =	shalt  }
0x54: {  	_ =	shalt  }
0x55: {  	_ =	shalt  }
0x56: {  	_ =	shalt  }
0x57: {  	_ =	shalt  }
0x58: {  	_ =	shalt  }
0x59: {  	_ =	shalt  }
0x5a: {  	_ =	shalt  }
0x5b: {  	_ =	shalt  }
0x5c: {  	_ =	shalt  }
0x5d: {  	_ =	shalt  }
0x5e: {  	_ =	shalt  }
0x5f: {  	_ =	shalt  }
0x60: {  	_ =	shalt  }
0x61: {  	_ =	shalt  }
0x62: {  	_ =	shalt  }
0x63: {  	_ =	shalt  }
0x64: {  	_ =	shalt  }
0x65: {  	_ =	shalt  }
0x66: {  	_ =	shalt  }
0x67: {  	_ =	shalt  }
0x68: {  	_ =	shalt  }
0x69: {  	_ =	shalt  }
0x6a: {  	_ =	shalt  }
0x6b: {  	_ =	shalt  }
0x6c: {  	_ =	shalt  }
0x6d: {  	_ =	shalt  }
0x6e: {  	_ =	shalt  }
0x6f: {  	_ =	shalt  }
0x70: {  	_ =	shalt  }
0x71: {  	_ =	shalt  }
0x72: {  	_ =	shalt  }
0x73: {  	_ =	shalt  }
0x74: {  	_ =	shalt  }
0x75: {  	_ =	shalt  }
0x76: {  	_ =	shalt  }
0x77: {  	_ =	shalt  }
0x78: {  	_ =	shalt  }
0x79: {  	_ =	shalt  }
0x7a: {  	_ =	shalt  }
0x7b: {  	_ =	shalt  }
0x7c: {  	_ =	shalt  }
0x7d: {  	_ =	shalt  }
0x7e: {  	_ =	shalt  }
0x7f: {  	_ =	shalt  }
0x80: {  	_ =	shalt  }
0x81: {  	_ =	shalt  }
0x82: {  	_ =	shalt  }
0x83: {  	_ =	shalt  }
0x84: {  	_ =	shalt  }
0x85: {  	_ =	shalt  }
0x86: {  	_ =	shalt  }
0x87: {  	_ =	shalt  }
.Lfunc_end0:
.L_simem_size_0:
called_computation.2_lowered:
.L_overlay_start_0:
0x88: {  	s2 =	sld [smem:$0x3FD9]  }
0x89: {  	s3 =	sld [smem:$0x3FFE];
	_ =	sdelay $0x1  }
0x8a: {  	s1 =	srdreg.scid  }
0x8b: {  	s0 =	sand.u32 $0x1, s1  }
0x8c: {  	s17 =	sshll.u32 s0, $0xA;
	s2 =	sadd.s32 s3, s2  }
0x8d: {  	s2 =	sadd.s32 s2, s17  }
0x8e: {  	[smem:$0x3FC0] =	sst s2  }
0x8f: {  	_ = 	snop  }
0x90: {  	s2 =	sld [smem:$0x3FD0];
	(tm) =	ssettm $0x1  }
0x91: {  	s18 =	sld [smem:$0x3FFB];
	_ =	sdelay $0x3  }
0x92: {  	_ =	strace s18  }
0x93: {  	s3 =	sld [smem:$0x3FFC];
	_ =	sdelay $0x3  }
0x94: {  	_ =	strace s3  }
0x95: {  	s3 =	sld [smem:$0x3FFD];
	_ =	sdelay $0x3  }
0x96: {  	_ =	strace s3  }
0x97: {  	_ =	strace $0x8FFFFFFF  }
0x98: {  	s19 =	sld [smem:$0x3FDB];
	_ =	sdelay $0x1  }
0x99: {  	s4 =	simm.s32 $_scs_section_size  }
0x9a: {  	s5 =	simm.s32 $_size__tile_overlayer_lowered;
	s6 =	simm.s32 $_tile_overlayer_lowered  }
0x9b: {  	s22 =	simm.s32 $0x1BFF;
	s21 =	sshll.u32 s6, $0x1;
	s3 =	sadd.s32 s4, s19  }
0x9c: {  	s7 =	simm.s32 $0x0;
	s20 =	sshll.u32 s5, $0x1;
	s5 =	sadd.s32 s21, s3  }
0x9d: {  	[timem:s7], [sflag:s22] =	dma.local [hbm:s5], s20  }
0x9e: {  	_ =	swait.ge [sflag:s22], s20  }
0x9f: {  	s4 =	ssub.s32 $0x0, s20;
	[sflag:s22] =	ssyncset.done $0x0  }
0xa0: {  	[sflag:s22] =	ssyncadd.s32 s4;
	_ =	sdelay $0x1  }
0xa1: {  	s23 =	simm.s32 $0x1B8B  }
0xa2: {  	_ =	swait.ge [sflag:s23], $0x1  }
0xa3: {  	[sflag:s23] =	ssyncset.done $0x0  }
0xa4: {  	s25 =	simm.s32 $0x1B8E;
	s24 =	sld [smem:$0x3FFE];
	[sflag:s23] =	ssyncadd.s32 $0xFFFFFFFF  }
0xa5: {  	s26 =	simm.s32 $execute0_lowered;
	[smem:$0x3FD2] =	sst s25  }
0xa6: {  	s5 =	sshll.u32 s26, $0x1;
	_ =	strace $0x8000004C;
	[dreg:$0x1] =	wrdreg $0xFFFFFFFF  }
0xa7: {  	s28 =	simm.s32 $_size_execute0_lowered;
	s3 =	sadd.s32 s3, s5;
	[dreg:$0x0] =	wrdreg $0x0  }
0xa8: {  	s5 =	sshll.u32 s28, $0x1;
	[dreg:$0x2] =	wrdreg s3  }
0xa9: {  	[dreg:$0x3] =	wrdreg s5  }
0xaa: {  	[dreg:$0x4] =	wrdreg $0xC0  }
0xab: {  	_ =	task [dreg:s7], $0x5FFFF  }
0xac: {  	[dreg:$0x1] =	wrdreg $0xFFFFFFFF  }
0xad: {  	[dreg:$0x0] =	wrdreg $0x60  }
0xae: {  	[dreg:$0x2] =	wrdreg s24  }
0xaf: {  	[dreg:$0x3] =	wrdreg s2  }
0xb0: {  	[dreg:$0x4] =	wrdreg $0x50000  }
0xb1: {  	[dreg:$0x5] =	wrdreg $0x9  }
0xb2: {  	_ =	task.clear_ibuf [dreg:s7], $0x6FFFF;
	_ =	strace $0x9000004C  }
0xb3: {  	s29 =	simm.s32 $0x9;
	_ =	strace $0x8000004E  }
0xb4: {  	_ =	swait.ge [sflag:s29], $0x1  }
0xb5: {  	[sflag:s29] =	ssyncadd.s32 $0xFFFFFFFF  }
0xb6: {  	_ =	strace $0x9000004E  }
0xb7: {  	_ =	sfence  }
0xb8: {  	s30 =	sld [smem:$0x0];
	_ =	sdelay $0x2  }
0xb9: {  	s31 =	sshll.u32 s1, $0xD;
	s1 =	sshrl.u32 s1, $0x2  }
0xba: {  	s3 =	sand.u32 $0x4000, s31;
	s1 =	sadd.s32 s1, s30  }
0xbb: {  	s0 =	sor.u32 s3, s0;
	s1 =	sshll.u32 s1, $0x11  }
0xbc: {  	s0 =	sor.u32 s1, s0  }
0xbd: {  	s0 =	sadd.s32 $0x8F2B, s0  }
0xbe: {  	[sflag:s0] =	ssyncadd.remote.s32 $0x1  }
0xbf: {  	_ =	sfence.sel $0xFFFF  }
0xc0: {  	[dreg:$0x0] =	wrdreg $0xFFFFFFFF;
	(pc) =	sbr.abs _section_cstart, $3  }
0xc1: {  	[dreg:$0x1] =	wrdreg $0xFFFFFFFF  }
0xc2: {  	_ =	task.clear_ibuf [dreg:s7], $0x2FFFF;
	_ =	strace $0x9FFFFFFF  }
0xc3: {  	(tm) =	ssettm $0x7FFFFFFF  }
tec
execute0_lowered:
.L_overlay_start_1:
0x0: {  	(tag) =	ssettag $0x1  }
0x1: {  	s0 =	rddreg [dreg:$0x0]  }
0x2: {  	s8 =	rddreg [dreg:$0x1];
	s1 =	srdreg.scid  }
0x3: {  	s2 =	rddreg [dreg:$0x2];
	s25 =	stileid.u32  }
0x4: {  	s3 =	simm.s32 $0x0;
	s13 =	simm.s32 $0x80;
	s14 =	simm.s32 $0x800  }
0x5: {  	s15 =	simm.s32 $0x480;
	s16 =	simm.s32 $0x100;
	s17 =	simm.s32 $0x500  }
0x6: {  	s18 =	simm.s32 $0x180;
	s19 =	simm.s32 $0x580;
	s20 =	simm.s32 $0x200  }
0x7: {  	s21 =	simm.s32 $0x600;
	s22 =	simm.s32 $0x280;
	s23 =	simm.s32 $0x680  }
0x8: {  	s24 =	simm.s32 $0x300;
	s28 =	simm.s32 $0x780;
	s6 =	smul.u32 $0x14000, s25  }
0x9: {  	s29 =	simm.s32 $0x0;
	s5 =	sand.u32 $0x1, s1;
	s9 =	smul.u32 $0xA00, s25  }
0xa: {  	[smem:$0x7FF] =	sst s3;
	s7 =	smul.u32 $0x50000, s25;
	s25 =	simm.s32 $0x700  }
0xb: {  	s4 =	smul.u32 $0x140000, s5;
	_ =	strace $0x8000004D;
	s26 =	ssub.s32 $0x2, s5  }
0xc: {  	s12 =	smul.u32 $0x500, s5;
	s10 =	sadd.s32 s9, s0;
	s11 =	sshrl.u32 s26, $0x1  }
0xd: {  	s7 =	sshrl.u32 s7, $0x2;
	s30 =	sadd.s32 s9, s8;
	s4 =	sadd.s32 s6, s4  }
0xe: {  	s11 =	ssub.s32 s26, s11;
	s5 =	sadd.s32 s7, s2;
	s31 =	sadd.s32 s12, s10  }
0xf: {  	s8 =	sadd.s32 s12, s30;
	s10 =	simm.s32 $0x4800;
	s6 =	sshrl.u32 s4, $0x3  }
0x10: {  	s12 =	simm.s32 $0x400;
	s4 =	sadd.s32 $0x5CE00, s0;
	s0 =	sadd.s32 s6, s0  }
0x11: {  	s26 =	simm.s32 $0x380;
	s7 =	smax.u32 s11, $0x1;
	s0 =	sadd.s32 $0x84000, s0  }
0x12: {  	v0 =	vimm.f32 $0.0e+00;
	s9 =	sadd.s32 $0x2E00, s31;
	s11 =	simm.s32 $0x1;
	[dreg:$0x4] =	wrdreg s0  }
.LBB2_1:
0x13: {  	s30 =	simm.s32 $0x0;
	s31 =	simm.s32 $0x200  }
.LBB2_2:
0x14: {  	p0 =	sne.s32 s31, $0x1E00;
	[tilespmem:s30+$0x4870] =	vst v0  }
0x15: {  	[tilespmem:s30+$0x4800] =	vst v0  }
0x16: {  	[tilespmem:s30+$0x4810] =	vst v0  }
.Ltmp0:
0x17: {  	[tilespmem:s30+$0x4820] =	vst v0;
	(pc) =	sbr.rel @p0 .LBB2_2-.Ltmp0, $4  }
0x18: {  	[tilespmem:s30+$0x4830] =	vst v0  }
0x19: {  	[tilespmem:s30+$0x4840] =	vst v0  }
0x1a: {  	[tilespmem:s30+$0x4850] =	vst v0  }
0x1b: {  	[tilespmem:s30+$0x4860] =	vst v0;
	s30 =	sshra.s32 s31, $0x2;
	s31 =	sadd.s32 $0x200, s31  }
0x1c: {  	[tilespmem:s30+$0x4870] =	vst v0  }
0x1d: {  	[tilespmem:s30+$0x4800] =	vst v0  }
0x1e: {  	[tilespmem:s30+$0x4810] =	vst v0  }
0x1f: {  	[tilespmem:s30+$0x4820] =	vst v0  }
0x20: {  	[tilespmem:s30+$0x4830] =	vst v0  }
0x21: {  	[tilespmem:s30+$0x4840] =	vst v0  }
0x22: {  	[tilespmem:s30+$0x4850] =	vst v0  }
0x23: {  	[tilespmem:s30+$0x4860] =	vst v0;
	s0 =	sadd.s32 $0x0, s5  }
0x24: {  	[spmem:s0] =	stream.linear.scatter [tilespmem:s10], [sflag:$0x1], $0x800, $0x38;
	[tilespmem:$0x19000] =	vst v63  }
0x25: {  	s30 =	simm.s32 $0x2000;
	_ =	swait.ge [sflag:s11], $0x800  }
.LBB2_4:
0x26: {  	s0 =	sshra.s32 s30, $0x2;
	[sflag:s11] =	ssyncset.done $0x0;
	p0 =	sne.s32 s30, $0x4E000  }
.Ltmp1:
0x27: {  	s0 =	sadd.s32 s0, s5;
	[sflag:s11] =	ssyncadd.s32 $0xFFFFF800;
	(pc) =	sbr.rel @p0 .LBB2_4-.Ltmp1, $3  }
0x28: {  	[spmem:s0] =	stream.linear.scatter [tilespmem:s10], [sflag:$0x1], $0x800, $0x38;
	[tilespmem:$0x19000] =	vst v63  }
0x29: {  	s30 =	sadd.s32 $0x2000, s30;
	_ =	sdelay $0x1  }
0x2a: {  	_ =	swait.ge [sflag:s11], $0x800  }
0x2b: {  	[sflag:s11] =	ssyncset.done $0x0  }
0x2c: {  	[sflag:s11] =	ssyncadd.s32 $0xFFFFF800  }
0x2d: {  	s0 =	sadd.s32 $0x0, s9;
	[bflag:$0x0] =	sbarrier.arrive $0xFFFF  }
0x2e: {  	[tilespmem:s3], [sflag:$0x1] =	stream.linear.gather [hbm4b:s0+s3], $0x400, $0x38;
	[tilespmem:$0x19000] =	vst v63  }
0x2f: {  	_ =	swait.ge [sflag:s11], $0x400  }
0x30: {  	[sflag:s11] =	ssyncset.done $0x0  }
0x31: {  	s6 =	sadd.s32 $0x0, s8;
	[sflag:s11] =	ssyncadd.s32 $0xFFFFFC00  }
0x32: {  	[tilespmem:s12], [sflag:$0x1] =	stream.linear.gather [hbm4b:s6+s3], $0x400, $0x38;
	[tilespmem:$0x19000] =	vst v63  }
0x33: {  	_ =	swait.ge [sflag:s11], $0x400  }
0x34: {  	[sflag:s11] =	ssyncset.done $0x0  }
0x35: {  	[sflag:s11] =	ssyncadd.s32 $0xFFFFFC00  }
0x36: {  	[tilespmem:s14], [sflag:$0x1] =	stream.indirect.gather [hbm4b:s4+s13], $0x80, s3, s13, $0xb8;
	[tilespmem:$0x19000] =	vst v63  }
0x37: {  	_ =	swait.ge [sflag:s11], $0x4000  }
0x38: {  	[sflag:s11] =	ssyncset.done $0x0  }
0x39: {  	[sflag:s11] =	ssyncadd.s32 $0xFFFFC000  }
0x3a: {  	[spmem:s2] =	stream.indirect.scatter.add.f32 [tilespmem:s14], [sflag:$0x1], $0x80, s12, s13, $0xb8;
	[tilespmem:$0x19000] =	vst v63  }
0x3b: {  	_ =	swait.ge [sflag:s11], $0x4000  }
0x3c: {  	[sflag:s11] =	ssyncset.done $0x0  }
0x3d: {  	[sflag:s11] =	ssyncadd.s32 $0xFFFFC000  }
0x3e: {  	[tilespmem:s14], [sflag:$0x1] =	stream.indirect.gather [hbm4b:s4+s13], $0x80, s13, s13, $0xb8;
	[tilespmem:$0x19000] =	vst v63  }
0x3f: {  	_ =	swait.ge [sflag:s11], $0x4000  }
0x40: {  	[sflag:s11] =	ssyncset.done $0x0  }
0x41: {  	[sflag:s11] =	ssyncadd.s32 $0xFFFFC000  }
0x42: {  	[spmem:s2] =	stream.indirect.scatter.add.f32 [tilespmem:s14], [sflag:$0x1], $0x80, s15, s13, $0xb8;
	[tilespmem:$0x19000] =	vst v63  }
0x43: {  	_ =	swait.ge [sflag:s11], $0x4000  }
0x44: {  	[sflag:s11] =	ssyncset.done $0x0  }
0x45: {  	[sflag:s11] =	ssyncadd.s32 $0xFFFFC000  }
0x46: {  	[tilespmem:s14], [sflag:$0x1] =	stream.indirect.gather [hbm4b:s4+s13], $0x80, s16, s13, $0xb8;
	[tilespmem:$0x19000] =	vst v63  }
0x47: {  	_ =	swait.ge [sflag:s11], $0x4000  }
0x48: {  	[sflag:s11] =	ssyncset.done $0x0  }
0x49: {  	[sflag:s11] =	ssyncadd.s32 $0xFFFFC000  }
0x4a: {  	[spmem:s2] =	stream.indirect.scatter.add.f32 [tilespmem:s14], [sflag:$0x1], $0x80, s17, s13, $0xb8;
	[tilespmem:$0x19000] =	vst v63  }
0x4b: {  	_ =	swait.ge [sflag:s11], $0x4000  }
0x4c: {  	[sflag:s11] =	ssyncset.done $0x0  }
0x4d: {  	[sflag:s11] =	ssyncadd.s32 $0xFFFFC000  }
0x4e: {  	[tilespmem:s14], [sflag:$0x1] =	stream.indirect.gather [hbm4b:s4+s13], $0x80, s18, s13, $0xb8;
	[tilespmem:$0x19000] =	vst v63  }
0x4f: {  	_ =	swait.ge [sflag:s11], $0x4000  }
0x50: {  	[sflag:s11] =	ssyncset.done $0x0  }
0x51: {  	[sflag:s11] =	ssyncadd.s32 $0xFFFFC000  }
0x52: {  	[spmem:s2] =	stream.indirect.scatter.add.f32 [tilespmem:s14], [sflag:$0x1], $0x80, s19, s13, $0xb8;
	[tilespmem:$0x19000] =	vst v63  }
0x53: {  	_ =	swait.ge [sflag:s11], $0x4000  }
0x54: {  	[sflag:s11] =	ssyncset.done $0x0  }
0x55: {  	[sflag:s11] =	ssyncadd.s32 $0xFFFFC000  }
0x56: {  	[tilespmem:s14], [sflag:$0x1] =	stream.indirect.gather [hbm4b:s4+s13], $0x80, s20, s13, $0xb8;
	[tilespmem:$0x19000] =	vst v63  }
0x57: {  	_ =	swait.ge [sflag:s11], $0x4000  }
0x58: {  	[sflag:s11] =	ssyncset.done $0x0  }
0x59: {  	[sflag:s11] =	ssyncadd.s32 $0xFFFFC000  }
0x5a: {  	[spmem:s2] =	stream.indirect.scatter.add.f32 [tilespmem:s14], [sflag:$0x1], $0x80, s21, s13, $0xb8;
	[tilespmem:$0x19000] =	vst v63  }
0x5b: {  	_ =	swait.ge [sflag:s11], $0x4000  }
0x5c: {  	[sflag:s11] =	ssyncset.done $0x0  }
0x5d: {  	[sflag:s11] =	ssyncadd.s32 $0xFFFFC000  }
0x5e: {  	[tilespmem:s14], [sflag:$0x1] =	stream.indirect.gather [hbm4b:s4+s13], $0x80, s22, s13, $0xb8;
	[tilespmem:$0x19000] =	vst v63  }
0x5f: {  	_ =	swait.ge [sflag:s11], $0x4000  }
0x60: {  	[sflag:s11] =	ssyncset.done $0x0  }
0x61: {  	[sflag:s11] =	ssyncadd.s32 $0xFFFFC000  }
0x62: {  	[spmem:s2] =	stream.indirect.scatter.add.f32 [tilespmem:s14], [sflag:$0x1], $0x80, s23, s13, $0xb8;
	[tilespmem:$0x19000] =	vst v63  }
0x63: {  	_ =	swait.ge [sflag:s11], $0x4000  }
0x64: {  	[sflag:s11] =	ssyncset.done $0x0  }
0x65: {  	[sflag:s11] =	ssyncadd.s32 $0xFFFFC000  }
0x66: {  	[tilespmem:s14], [sflag:$0x1] =	stream.indirect.gather [hbm4b:s4+s13], $0x80, s24, s13, $0xb8;
	[tilespmem:$0x19000] =	vst v63  }
0x67: {  	_ =	swait.ge [sflag:s11], $0x4000  }
0x68: {  	[sflag:s11] =	ssyncset.done $0x0  }
0x69: {  	[sflag:s11] =	ssyncadd.s32 $0xFFFFC000  }
0x6a: {  	[spmem:s2] =	stream.indirect.scatter.add.f32 [tilespmem:s14], [sflag:$0x1], $0x80, s25, s13, $0xb8;
	[tilespmem:$0x19000] =	vst v63  }
0x6b: {  	_ =	swait.ge [sflag:s11], $0x4000  }
0x6c: {  	[sflag:s11] =	ssyncset.done $0x0  }
0x6d: {  	[sflag:s11] =	ssyncadd.s32 $0xFFFFC000  }
0x6e: {  	[tilespmem:s14], [sflag:$0x1] =	stream.indirect.gather [hbm4b:s4+s13], $0x80, s26, s13, $0xb8;
	[tilespmem:$0x19000] =	vst v63  }
0x6f: {  	_ =	swait.ge [sflag:s11], $0x4000  }
0x70: {  	[sflag:s11] =	ssyncset.done $0x0  }
0x71: {  	[sflag:s11] =	ssyncadd.s32 $0xFFFFC000  }
0x72: {  	[spmem:s2] =	stream.indirect.scatter.add.f32 [tilespmem:s14], [sflag:$0x1], $0x80, s28, s13, $0xb8;
	[tilespmem:$0x19000] =	vst v63  }
0x73: {  	_ =	swait.ge [sflag:s11], $0x4000  }
0x74: {  	s30 =	simm.s32 $0x80;
	s31 =	simm.s32 $0x100;
	[sflag:s11] =	ssyncset.done $0x0  }
.LBB2_6:
0x75: {  	s1 =	sadd.s32 s30, s9  }
0x76: {  	[sflag:s11] =	ssyncadd.s32 $0xFFFFC000;
	s6 =	smov.u32 s31;
	s0 =	sadd.s32 $0x80, s31  }
0x77: {  	[tilespmem:s3], [sflag:$0x1] =	stream.linear.gather [hbm4b:s1+s3], $0x400, $0x38;
	[tilespmem:$0x19000] =	vst v63  }
0x78: {  	p0 =	sne.s32 s31, $0x480;
	_ =	swait.ge [sflag:s11], $0x400  }
0x79: {  	[sflag:s11] =	ssyncset.done $0x0  }
0x7a: {  	s1 =	sadd.s32 s30, s8;
	s30 =	smov.u32 s6;
	[sflag:s11] =	ssyncadd.s32 $0xFFFFFC00  }
0x7b: {  	[tilespmem:s12], [sflag:$0x1] =	stream.linear.gather [hbm4b:s1+s3], $0x400, $0x38;
	[tilespmem:$0x19000] =	vst v63  }
0x7c: {  	_ =	swait.ge [sflag:s11], $0x400  }
0x7d: {  	[sflag:s11] =	ssyncset.done $0x0  }
0x7e: {  	[sflag:s11] =	ssyncadd.s32 $0xFFFFFC00  }
0x7f: {  	[tilespmem:s14], [sflag:$0x1] =	stream.indirect.gather [hbm4b:s4+s13], $0x80, s3, s13, $0xb8;
	[tilespmem:$0x19000] =	vst v63  }
0x80: {  	_ =	swait.ge [sflag:s11], $0x4000  }
0x81: {  	[sflag:s11] =	ssyncset.done $0x0  }
0x82: {  	[sflag:s11] =	ssyncadd.s32 $0xFFFFC000  }
0x83: {  	[spmem:s2] =	stream.indirect.scatter.add.f32 [tilespmem:s14], [sflag:$0x1], $0x80, s12, s13, $0xb8;
	[tilespmem:$0x19000] =	vst v63  }
0x84: {  	_ =	swait.ge [sflag:s11], $0x4000  }
0x85: {  	[sflag:s11] =	ssyncset.done $0x0  }
0x86: {  	[sflag:s11] =	ssyncadd.s32 $0xFFFFC000  }
0x87: {  	[tilespmem:s14], [sflag:$0x1] =	stream.indirect.gather [hbm4b:s4+s13], $0x80, s13, s13, $0xb8;
	[tilespmem:$0x19000] =	vst v63  }
0x88: {  	_ =	swait.ge [sflag:s11], $0x4000  }
0x89: {  	[sflag:s11] =	ssyncset.done $0x0  }
0x8a: {  	[sflag:s11] =	ssyncadd.s32 $0xFFFFC000  }
0x8b: {  	[spmem:s2] =	stream.indirect.scatter.add.f32 [tilespmem:s14], [sflag:$0x1], $0x80, s15, s13, $0xb8;
	[tilespmem:$0x19000] =	vst v63  }
0x8c: {  	_ =	swait.ge [sflag:s11], $0x4000  }
0x8d: {  	[sflag:s11] =	ssyncset.done $0x0  }
0x8e: {  	[sflag:s11] =	ssyncadd.s32 $0xFFFFC000  }
0x8f: {  	[tilespmem:s14], [sflag:$0x1] =	stream.indirect.gather [hbm4b:s4+s13], $0x80, s16, s13, $0xb8;
	[tilespmem:$0x19000] =	vst v63  }
0x90: {  	_ =	swait.ge [sflag:s11], $0x4000  }
0x91: {  	[sflag:s11] =	ssyncset.done $0x0  }
0x92: {  	[sflag:s11] =	ssyncadd.s32 $0xFFFFC000  }
0x93: {  	[spmem:s2] =	stream.indirect.scatter.add.f32 [tilespmem:s14], [sflag:$0x1], $0x80, s17, s13, $0xb8;
	[tilespmem:$0x19000] =	vst v63  }
0x94: {  	_ =	swait.ge [sflag:s11], $0x4000  }
0x95: {  	[sflag:s11] =	ssyncset.done $0x0  }
0x96: {  	[sflag:s11] =	ssyncadd.s32 $0xFFFFC000  }
0x97: {  	[tilespmem:s14], [sflag:$0x1] =	stream.indirect.gather [hbm4b:s4+s13], $0x80, s18, s13, $0xb8;
	[tilespmem:$0x19000] =	vst v63  }
0x98: {  	_ =	swait.ge [sflag:s11], $0x4000  }
0x99: {  	[sflag:s11] =	ssyncset.done $0x0  }
0x9a: {  	[sflag:s11] =	ssyncadd.s32 $0xFFFFC000  }
0x9b: {  	[spmem:s2] =	stream.indirect.scatter.add.f32 [tilespmem:s14], [sflag:$0x1], $0x80, s19, s13, $0xb8;
	[tilespmem:$0x19000] =	vst v63  }
0x9c: {  	_ =	swait.ge [sflag:s11], $0x4000  }
0x9d: {  	[sflag:s11] =	ssyncset.done $0x0  }
0x9e: {  	[sflag:s11] =	ssyncadd.s32 $0xFFFFC000  }
0x9f: {  	[tilespmem:s14], [sflag:$0x1] =	stream.indirect.gather [hbm4b:s4+s13], $0x80, s20, s13, $0xb8;
	[tilespmem:$0x19000] =	vst v63  }
0xa0: {  	_ =	swait.ge [sflag:s11], $0x4000  }
0xa1: {  	[sflag:s11] =	ssyncset.done $0x0  }
0xa2: {  	[sflag:s11] =	ssyncadd.s32 $0xFFFFC000  }
0xa3: {  	[spmem:s2] =	stream.indirect.scatter.add.f32 [tilespmem:s14], [sflag:$0x1], $0x80, s21, s13, $0xb8;
	[tilespmem:$0x19000] =	vst v63  }
0xa4: {  	_ =	swait.ge [sflag:s11], $0x4000  }
0xa5: {  	[sflag:s11] =	ssyncset.done $0x0  }
0xa6: {  	[sflag:s11] =	ssyncadd.s32 $0xFFFFC000  }
0xa7: {  	[tilespmem:s14], [sflag:$0x1] =	stream.indirect.gather [hbm4b:s4+s13], $0x80, s22, s13, $0xb8;
	[tilespmem:$0x19000] =	vst v63  }
0xa8: {  	_ =	swait.ge [sflag:s11], $0x4000  }
0xa9: {  	[sflag:s11] =	ssyncset.done $0x0  }
0xaa: {  	[sflag:s11] =	ssyncadd.s32 $0xFFFFC000  }
0xab: {  	[spmem:s2] =	stream.indirect.scatter.add.f32 [tilespmem:s14], [sflag:$0x1], $0x80, s23, s13, $0xb8;
	[tilespmem:$0x19000] =	vst v63  }
0xac: {  	_ =	swait.ge [sflag:s11], $0x4000  }
0xad: {  	[sflag:s11] =	ssyncset.done $0x0  }
0xae: {  	[sflag:s11] =	ssyncadd.s32 $0xFFFFC000  }
0xaf: {  	[tilespmem:s14], [sflag:$0x1] =	stream.indirect.gather [hbm4b:s4+s13], $0x80, s24, s13, $0xb8;
	[tilespmem:$0x19000] =	vst v63  }
0xb0: {  	_ =	swait.ge [sflag:s11], $0x4000  }
0xb1: {  	[sflag:s11] =	ssyncset.done $0x0  }
0xb2: {  	[sflag:s11] =	ssyncadd.s32 $0xFFFFC000  }
0xb3: {  	[spmem:s2] =	stream.indirect.scatter.add.f32 [tilespmem:s14], [sflag:$0x1], $0x80, s25, s13, $0xb8;
	[tilespmem:$0x19000] =	vst v63  }
0xb4: {  	_ =	swait.ge [sflag:s11], $0x4000  }
0xb5: {  	[sflag:s11] =	ssyncset.done $0x0  }
0xb6: {  	[sflag:s11] =	ssyncadd.s32 $0xFFFFC000  }
0xb7: {  	[tilespmem:s14], [sflag:$0x1] =	stream.indirect.gather [hbm4b:s4+s13], $0x80, s26, s13, $0xb8;
	[tilespmem:$0x19000] =	vst v63  }
0xb8: {  	_ =	swait.ge [sflag:s11], $0x4000  }
.Ltmp2:
0xb9: {  	[sflag:s11] =	ssyncset.done $0x0;
	(pc) =	sbr.rel @p0 .LBB2_6-.Ltmp2, $4  }
0xba: {  	[sflag:s11] =	ssyncadd.s32 $0xFFFFC000  }
0xbb: {  	[spmem:s2] =	stream.indirect.scatter.add.f32 [tilespmem:s14], [sflag:$0x1], $0x80, s28, s13, $0xb8;
	[tilespmem:$0x19000] =	vst v63  }
0xbc: {  	_ =	swait.ge [sflag:s11], $0x4000  }
0xbd: {  	s31 =	smov.u32 s0;
	[sflag:s11] =	ssyncset.done $0x0  }
0xbe: {  	s0 =	sadd.s32 s30, s9;
	[sflag:s11] =	ssyncadd.s32 $0xFFFFC000  }
0xbf: {  	[tilespmem:s3], [sflag:$0x1] =	stream.linear.gather [hbm4b:s0+s3], $0x400, $0x38;
	[tilespmem:$0x19000] =	vst v63  }
0xc0: {  	_ =	swait.ge [sflag:s11], $0x400  }
0xc1: {  	[sflag:s11] =	ssyncset.done $0x0  }
0xc2: {  	s30 =	sadd.s32 s30, s8;
	[sflag:s11] =	ssyncadd.s32 $0xFFFFFC00  }
0xc3: {  	[tilespmem:s12], [sflag:$0x1] =	stream.linear.gather [hbm4b:s30+s3], $0x400, $0x38;
	[tilespmem:$0x19000] =	vst v63  }
0xc4: {  	_ =	swait.ge [sflag:s11], $0x400  }
0xc5: {  	[sflag:s11] =	ssyncset.done $0x0  }
0xc6: {  	[sflag:s11] =	ssyncadd.s32 $0xFFFFFC00  }
0xc7: {  	[tilespmem:s14], [sflag:$0x1] =	stream.indirect.gather [hbm4b:s4+s13], $0x80, s3, s13, $0xb8;
	[tilespmem:$0x19000] =	vst v63  }
0xc8: {  	_ =	swait.ge [sflag:s11], $0x4000  }
0xc9: {  	[sflag:s11] =	ssyncset.done $0x0  }
0xca: {  	[sflag:s11] =	ssyncadd.s32 $0xFFFFC000  }
0xcb: {  	[spmem:s2] =	stream.indirect.scatter.add.f32 [tilespmem:s14], [sflag:$0x1], $0x80, s12, s13, $0xb8;
	[tilespmem:$0x19000] =	vst v63  }
0xcc: {  	_ =	swait.ge [sflag:s11], $0x4000  }
0xcd: {  	[sflag:s11] =	ssyncset.done $0x0  }
0xce: {  	[sflag:s11] =	ssyncadd.s32 $0xFFFFC000  }
0xcf: {  	[tilespmem:s14], [sflag:$0x1] =	stream.indirect.gather [hbm4b:s4+s13], $0x80, s13, s13, $0xb8;
	[tilespmem:$0x19000] =	vst v63  }
0xd0: {  	_ =	swait.ge [sflag:s11], $0x4000  }
0xd1: {  	[sflag:s11] =	ssyncset.done $0x0  }
0xd2: {  	[sflag:s11] =	ssyncadd.s32 $0xFFFFC000  }
0xd3: {  	[spmem:s2] =	stream.indirect.scatter.add.f32 [tilespmem:s14], [sflag:$0x1], $0x80, s15, s13, $0xb8;
	[tilespmem:$0x19000] =	vst v63  }
0xd4: {  	_ =	swait.ge [sflag:s11], $0x4000  }
0xd5: {  	[sflag:s11] =	ssyncset.done $0x0  }
0xd6: {  	[sflag:s11] =	ssyncadd.s32 $0xFFFFC000  }
0xd7: {  	[tilespmem:s14], [sflag:$0x1] =	stream.indirect.gather [hbm4b:s4+s13], $0x80, s16, s13, $0xb8;
	[tilespmem:$0x19000] =	vst v63  }
0xd8: {  	_ =	swait.ge [sflag:s11], $0x4000  }
0xd9: {  	[sflag:s11] =	ssyncset.done $0x0  }
0xda: {  	[sflag:s11] =	ssyncadd.s32 $0xFFFFC000  }
0xdb: {  	[spmem:s2] =	stream.indirect.scatter.add.f32 [tilespmem:s14], [sflag:$0x1], $0x80, s17, s13, $0xb8;
	[tilespmem:$0x19000] =	vst v63  }
0xdc: {  	_ =	swait.ge [sflag:s11], $0x4000  }
0xdd: {  	[sflag:s11] =	ssyncset.done $0x0  }
0xde: {  	[sflag:s11] =	ssyncadd.s32 $0xFFFFC000  }
0xdf: {  	[tilespmem:s14], [sflag:$0x1] =	stream.indirect.gather [hbm4b:s4+s13], $0x80, s18, s13, $0xb8;
	[tilespmem:$0x19000] =	vst v63  }
0xe0: {  	_ =	swait.ge [sflag:s11], $0x4000  }
0xe1: {  	[sflag:s11] =	ssyncset.done $0x0  }
0xe2: {  	[sflag:s11] =	ssyncadd.s32 $0xFFFFC000  }
0xe3: {  	[spmem:s2] =	stream.indirect.scatter.add.f32 [tilespmem:s14], [sflag:$0x1], $0x80, s19, s13, $0xb8;
	[tilespmem:$0x19000] =	vst v63  }
0xe4: {  	_ =	swait.ge [sflag:s11], $0x4000  }
0xe5: {  	[sflag:s11] =	ssyncset.done $0x0  }
0xe6: {  	[sflag:s11] =	ssyncadd.s32 $0xFFFFC000  }
0xe7: {  	[tilespmem:s14], [sflag:$0x1] =	stream.indirect.gather [hbm4b:s4+s13], $0x80, s20, s13, $0xb8;
	[tilespmem:$0x19000] =	vst v63  }
0xe8: {  	_ =	swait.ge [sflag:s11], $0x4000  }
0xe9: {  	[sflag:s11] =	ssyncset.done $0x0  }
0xea: {  	[sflag:s11] =	ssyncadd.s32 $0xFFFFC000  }
0xeb: {  	[spmem:s2] =	stream.indirect.scatter.add.f32 [tilespmem:s14], [sflag:$0x1], $0x80, s21, s13, $0xb8;
	[tilespmem:$0x19000] =	vst v63  }
0xec: {  	_ =	swait.ge [sflag:s11], $0x4000  }
0xed: {  	[sflag:s11] =	ssyncset.done $0x0  }
0xee: {  	[sflag:s11] =	ssyncadd.s32 $0xFFFFC000  }
0xef: {  	[tilespmem:s14], [sflag:$0x1] =	stream.indirect.gather [hbm4b:s4+s13], $0x80, s22, s13, $0xb8;
	[tilespmem:$0x19000] =	vst v63  }
0xf0: {  	_ =	swait.ge [sflag:s11], $0x4000  }
0xf1: {  	[sflag:s11] =	ssyncset.done $0x0  }
0xf2: {  	[sflag:s11] =	ssyncadd.s32 $0xFFFFC000  }
0xf3: {  	[spmem:s2] =	stream.indirect.scatter.add.f32 [tilespmem:s14], [sflag:$0x1], $0x80, s23, s13, $0xb8;
	[tilespmem:$0x19000] =	vst v63  }
0xf4: {  	_ =	swait.ge [sflag:s11], $0x4000  }
0xf5: {  	[sflag:s11] =	ssyncset.done $0x0  }
0xf6: {  	[sflag:s11] =	ssyncadd.s32 $0xFFFFC000  }
0xf7: {  	[tilespmem:s14], [sflag:$0x1] =	stream.indirect.gather [hbm4b:s4+s13], $0x80, s24, s13, $0xb8;
	[tilespmem:$0x19000] =	vst v63  }
0xf8: {  	_ =	swait.ge [sflag:s11], $0x4000  }
0xf9: {  	[sflag:s11] =	ssyncset.done $0x0  }
0xfa: {  	[sflag:s11] =	ssyncadd.s32 $0xFFFFC000  }
0xfb: {  	[spmem:s2] =	stream.indirect.scatter.add.f32 [tilespmem:s14], [sflag:$0x1], $0x80, s25, s13, $0xb8;
	[tilespmem:$0x19000] =	vst v63  }
0xfc: {  	_ =	swait.ge [sflag:s11], $0x4000  }
0xfd: {  	[sflag:s11] =	ssyncset.done $0x0  }
0xfe: {  	[sflag:s11] =	ssyncadd.s32 $0xFFFFC000  }
0xff: {  	[tilespmem:s14], [sflag:$0x1] =	stream.indirect.gather [hbm4b:s4+s13], $0x80, s26, s13, $0xb8;
	[tilespmem:$0x19000] =	vst v63  }
0x100: {  	_ =	swait.ge [sflag:s11], $0x4000  }
0x101: {  	[sflag:s11] =	ssyncset.done $0x0  }
0x102: {  	[sflag:s11] =	ssyncadd.s32 $0xFFFFC000  }
0x103: {  	[spmem:s2] =	stream.indirect.scatter.add.f32 [tilespmem:s14], [sflag:$0x1], $0x80, s28, s13, $0xb8;
	[tilespmem:$0x19000] =	vst v63  }
0x104: {  	_ =	swait.ge [sflag:s11], $0x4000  }
0x105: {  	s31 =	stileid.u32;
	[sflag:s11] =	ssyncset.done $0x0  }
0x106: {  	s1 =	sshrl.u32 s5, $0x3;
	s29 =	sadd.s32 $0x1, s29;
	[sflag:s11] =	ssyncadd.s32 $0xFFFFC000  }
0x107: {  	s0 =	sshll.u32 s31, $0x6;
	p0 =	sne.s32 s29, s7;
	[bflag:$0x0] =	sbarrier.arrive $0xFFFF  }
.Ltmp3:
0x108: {  	s0 =	sor.u32 $0x1C01, s0;
	s6 =	rddreg [dreg:$0x4];
	(pc) =	sbr.rel @p0 .LBB2_1-.Ltmp3, $4  }
0x109: {  	[hbm:s6], [sflag:s0] =	dma.local [spmem:s1], $0x2800  }
0x10a: {  	_ =	swait.ge [sflag:s11], $0x2800  }
0x10b: {  	[sflag:s11] =	ssyncset.done $0x0  }
0x10c: {  	[sflag:s11] =	ssyncadd.s32 $0xFFFFD800  }
0x10d: {  	_ =	sfence.sel $0x180000  }
0x10e: {  	[bflag:$0x0] =	sbarrier.arrive $0xFFFF  }
0x10f: {  	_ =	strace $0x9000004D  }
0x110: {  	s0 =	stileid.u32;
	[bflag:$0x2] =	sbarrier.arrive $0xFFFF  }
0x111: {  	p0 =	sne.s32 s0, $0x0;
	s0 =	rddreg [dreg:$0x3]  }
0x112: {  	s0 =	sadd.s32 @!p0 $0x100000, s0  }
0x113: {  	[sflag:s0] =	ssyncadd.tile.s32 @!p0 $0x1;
	_ =	shalt  }
.Lfunc_end2:
_tile_overlayer_lowered:
.L_overlay_start_2:
0x114: {  	(tag) =	ssettag $0x2  }
0x115: {  	s0 =	rddreg [dreg:$0x0];
	s2 =	stileid.u32  }
0x116: {  	s1 =	rddreg [dreg:$0x1];
	p0 =	sne.s32 s2, $0x0  }
0x117: {  	s3 =	rddreg [dreg:$0x2];
	[bflag:$0x3] =	sbarrier.arrive $0xFFFF;
	s2 =	simm.s32 @!p0 $0x1C01  }
0x118: {  	[timem:s3], [sflag:s2] =	dma.local @!p0 [hbm:s0], s1  }
0x119: {  	s0 =	simm.s32 @!p0 $0x1  }
0x11a: {  	_ =	swait.ge @!p0 [sflag:s0], s1  }
0x11b: {  	s1 =	ssub.s32 @!p0 $0x0, s1;
	[sflag:s0] =	ssyncset.done @!p0 $0x0  }
0x11c: {  	[sflag:s0] =	ssyncadd.s32 @!p0 s1  }
0x11d: {  	[bflag:$0x3] =	sbarrier.arrive $0xFFFF  }
0x11e: {  	_ =	shalt  }

// kernel: kernel.9.cloned.1.call-start
scs
__scs_entry_jumppad:
0x0: {  	(pc) =	sbr.rel $0x88, $3  }
0x1: {  	(tag) =	ssettag $0x0;
	lr =	simm.s32 $0x1  }
0x2: {  	[smem:$0x3F99] =	sst lr;
	_ =	strace $0xD0000000  }
0x3: {  	_ = 	snop  }
0x4: {  	_ = 	snop  }
0x5: {  	_ = 	snop  }
0x6: {  	_ = 	snop  }
0x7: {  	_ = 	snop  }
__scs_overlays_trampoline_lowered:
0x8: {  	[smem:$0x3FA8] =	sst s0  }
0x9: {  	[smem:$0x3FA9] =	sst s1  }
0xa: {  	[smem:$0x3FAA] =	sst s2  }
0xb: {  	[smem:$0x3FAB] =	sst s3  }
0xc: {  	[smem:$0x3FAC] =	sst s4  }
0xd: {  	[smem:$0x3FAD] =	sst s5  }
0xe: {  	[smem:$0x3FAE] =	sst s6  }
0xf: {  	[smem:$0x3FAF] =	sst s7  }
0x10: {  	[smem:$0x3FB0] =	sst s8  }
0x11: {  	[smem:$0x3FB1] =	sst s9;
	s0 =	simm.s32 @!p0 $0x0  }
0x12: {  	s1 =	sld [smem:$0x3F97];
	s0 =	simm.s32 @p0 $0x1  }
0x13: {  	[smem:$0x3FB2] =	sst s0;
	s0 =	simm.s32 @!p1 $0x0  }
0x14: {  	s2 =	sld [smem:$0x3F96];
	s0 =	simm.s32 @p1 $0x1  }
0x15: {  	[smem:$0x3FB3] =	sst s0;
	s0 =	simm.s32 @!p2 $0x0  }
0x16: {  	s3 =	sld [smem:$0x3FDB];
	s0 =	simm.s32 @p2 $0x1  }
0x17: {  	s4 =	simm.s32 $0x1BF5;
	[smem:$0x3FB5] =	sst s0  }
0x18: {  	s0 =	sld [smem:$0x3F98];
	_ =	swait.ge [sflag:s4], $0x0  }
0x19: {  	s7 =	sld [smem:$0x3F99]  }
0x1a: {  	s8 =	sadd.s32 $0xFFFFE003, lr  }
0x1b: {  	s9 =	sadd.s32 $0xFFFFFEF7, lr;
	s5 =	simm.s32 $0xFFFFFFFF;
	p2 =	slt.u32 s8, $0xFFFFF086  }
0x1c: {  	p1 =	slt.u32 s9, $0xF7A;
	s5 =	simm.s32 @!p2 $0x0  }
0x1d: {  	s5 =	simm.s32 @p1 $0x1;
	p0 =	seq.s32 s7, s2  }
0x1e: {  	s7 =	smul.u32 @!p0 $0xF7A, s2;
	p2 =	seq.s32 @!p0 s5, $0x0  }
0x1f: {  	s9 =	smul.u32 $0xF7A, s1;
	s8 =	simm.s32 @!p0 $0x1BF5;
	p2 =	por !p2, p0  }
0x20: {  	[sflag:s8] =	ssyncset.s32 @!p0 $0xFFFFF086;
	s6 =	sadd.s32 @!p0 s3, s7;
	s7 =	simm.s32 @!p0 $0x108  }
0x21: {  	s3 =	sadd.s32 s3, s9;
	s6 =	sadd.s32 @!p0 $0x88, s6;
	s7 =	simm.s32 @p2 $0x1082  }
0x22: {  	[simem:s7], [sflag:s8] =	dma.local @!p0 [hbm:s6], $0xF7A  }
0x23: {  	s9 =	sor.u32 $0xD0000000, s2;
	s6 =	simm.s32 $0x108;
	_ =	swait.ge @!p0 [sflag:s8], $0x0  }
0x24: {  	s3 =	sadd.s32 $0x88, s3;
	s6 =	simm.s32 @!p1 $0x1082;
	[sflag:s4] =	ssyncset.s32 $0xFFFFF086  }
0x25: {  	[simem:s6], [sflag:s4] =	dma.local [hbm:s3], $0xF7A  }
0x26: {  	[smem:$0x3F99] =	sst s1;
	(tag) =	ssettag s2;
	_ =	strace s9  }
0x27: {  	s1 =	sld [smem:$0x3FA9]  }
0x28: {  	s2 =	sld [smem:$0x3FAA]  }
0x29: {  	s4 =	sld [smem:$0x3FAC]  }
0x2a: {  	p0 =	seq.s32 s5, $0x0;
	s5 =	sld [smem:$0x3FAD]  }
0x2b: {  	s6 =	sld [smem:$0x3FAE]  }
0x2c: {  	s7 =	sld [smem:$0x3FAF]  }
0x2d: {  	s3 =	simm.s32 $0x108;
	s8 =	sld [smem:$0x3FB0]  }
0x2e: {  	s3 =	simm.s32 @!p0 $0x1082;
	s9 =	sld [smem:$0x3FB1]  }
0x2f: {  	lr =	sadd.s32 s0, s3;
	s0 =	sld [smem:$0x3FA8]  }
0x30: {  	s3 =	sld [smem:$0x3FAB]  }
0x31: {  	[smem:$0x3FB4] =	sst s10  }
0x32: {  	s10 =	sld [smem:$0x3FB2];
	_ =	sdelay $0x3  }
0x33: {  	p0 =	seq.s32 s10, $0x1;
	s10 =	sld [smem:$0x3FB4];
	_ =	sdelay $0x3  }
0x34: {  	[smem:$0x3FB4] =	sst s10  }
0x35: {  	s10 =	sld [smem:$0x3FB3];
	_ =	sdelay $0x3  }
0x36: {  	p1 =	seq.s32 s10, $0x1;
	s10 =	sld [smem:$0x3FB4];
	_ =	sdelay $0x3  }
0x37: {  	[smem:$0x3FB4] =	sst s10  }
0x38: {  	s10 =	sld [smem:$0x3FB5]  }
0x39: {  	_ = 	snop;
	(pc) =	sbr.ind lr, $3  }
0x3a: {  	_ = 	snop  }
0x3b: {  	_ = 	snop  }
0x3c: {  	p2 =	seq.s32 s10, $0x1;
	s10 =	sld [smem:$0x3FB4]  }
0x3d: {  	_ =	shalt  }
0x3e: {  	_ =	shalt  }
0x3f: {  	_ =	shalt  }
0x40: {  	_ =	shalt  }
0x41: {  	_ =	shalt  }
0x42: {  	_ =	shalt  }
0x43: {  	_ =	shalt  }
0x44: {  	_ =	shalt  }
0x45: {  	_ =	shalt  }
0x46: {  	_ =	shalt  }
0x47: {  	_ =	shalt  }
0x48: {  	_ =	shalt  }
0x49: {  	_ =	shalt  }
0x4a: {  	_ =	shalt  }
0x4b: {  	_ =	shalt  }
0x4c: {  	_ =	shalt  }
0x4d: {  	_ =	shalt  }
0x4e: {  	_ =	shalt  }
0x4f: {  	_ =	shalt  }
0x50: {  	_ =	shalt  }
0x51: {  	_ =	shalt  }
0x52: {  	_ =	shalt  }
0x53: {  	_ =	shalt  }
0x54: {  	_ =	shalt  }
0x55: {  	_ =	shalt  }
0x56: {  	_ =	shalt  }
0x57: {  	_ =	shalt  }
0x58: {  	_ =	shalt  }
0x59: {  	_ =	shalt  }
0x5a: {  	_ =	shalt  }
0x5b: {  	_ =	shalt  }
0x5c: {  	_ =	shalt  }
0x5d: {  	_ =	shalt  }
0x5e: {  	_ =	shalt  }
0x5f: {  	_ =	shalt  }
0x60: {  	_ =	shalt  }
0x61: {  	_ =	shalt  }
0x62: {  	_ =	shalt  }
0x63: {  	_ =	shalt  }
0x64: {  	_ =	shalt  }
0x65: {  	_ =	shalt  }
0x66: {  	_ =	shalt  }
0x67: {  	_ =	shalt  }
0x68: {  	_ =	shalt  }
0x69: {  	_ =	shalt  }
0x6a: {  	_ =	shalt  }
0x6b: {  	_ =	shalt  }
0x6c: {  	_ =	shalt  }
0x6d: {  	_ =	shalt  }
0x6e: {  	_ =	shalt  }
0x6f: {  	_ =	shalt  }
0x70: {  	_ =	shalt  }
0x71: {  	_ =	shalt  }
0x72: {  	_ =	shalt  }
0x73: {  	_ =	shalt  }
0x74: {  	_ =	shalt  }
0x75: {  	_ =	shalt  }
0x76: {  	_ =	shalt  }
0x77: {  	_ =	shalt  }
0x78: {  	_ =	shalt  }
0x79: {  	_ =	shalt  }
0x7a: {  	_ =	shalt  }
0x7b: {  	_ =	shalt  }
0x7c: {  	_ =	shalt  }
0x7d: {  	_ =	shalt  }
0x7e: {  	_ =	shalt  }
0x7f: {  	_ =	shalt  }
0x80: {  	_ =	shalt  }
0x81: {  	_ =	shalt  }
0x82: {  	_ =	shalt  }
0x83: {  	_ =	shalt  }
0x84: {  	_ =	shalt  }
0x85: {  	_ =	shalt  }
0x86: {  	_ =	shalt  }
0x87: {  	_ =	shalt  }
.Lfunc_end0:
.L_simem_size_0:
called_computation_lowered:
.L_overlay_start_0:
0x88: {  	s2 =	sld [smem:$0x3FD9]  }
0x89: {  	s3 =	sld [smem:$0x3FFE];
	_ =	sdelay $0x1  }
0x8a: {  	s1 =	srdreg.scid  }
0x8b: {  	s0 =	sand.u32 $0x1, s1  }
0x8c: {  	s17 =	sshll.u32 s0, $0xA;
	s2 =	sadd.s32 s3, s2  }
0x8d: {  	s2 =	sadd.s32 s2, s17  }
0x8e: {  	[smem:$0x3FC0] =	sst s2  }
0x8f: {  	_ = 	snop  }
0x90: {  	s2 =	sld [smem:$0x3FD0];
	(tm) =	ssettm $0x1  }
0x91: {  	s18 =	sld [smem:$0x3FFB];
	_ =	sdelay $0x3  }
0x92: {  	_ =	strace s18  }
0x93: {  	s3 =	sld [smem:$0x3FFC];
	_ =	sdelay $0x3  }
0x94: {  	_ =	strace s3  }
0x95: {  	s3 =	sld [smem:$0x3FFD];
	_ =	sdelay $0x3  }
0x96: {  	_ =	strace s3  }
0x97: {  	_ =	strace $0x8FFFFFFF  }
0x98: {  	s19 =	sld [smem:$0x3FDB];
	_ =	sdelay $0x1  }
0x99: {  	s4 =	simm.s32 $_scs_section_size  }
0x9a: {  	s5 =	simm.s32 $_size__tile_overlayer_lowered;
	s6 =	simm.s32 $_tile_overlayer_lowered  }
0x9b: {  	s22 =	simm.s32 $0x1BFF;
	s21 =	sshll.u32 s6, $0x1;
	s3 =	sadd.s32 s4, s19  }
0x9c: {  	s7 =	simm.s32 $0x0;
	s20 =	sshll.u32 s5, $0x1;
	s5 =	sadd.s32 s21, s3  }
0x9d: {  	[timem:s7], [sflag:s22] =	dma.local [hbm:s5], s20  }
0x9e: {  	_ =	swait.ge [sflag:s22], s20  }
0x9f: {  	s4 =	ssub.s32 $0x0, s20;
	[sflag:s22] =	ssyncset.done $0x0  }
0xa0: {  	[sflag:s22] =	ssyncadd.s32 s4;
	_ =	sdelay $0x1  }
0xa1: {  	s23 =	simm.s32 $0x1B8B  }
0xa2: {  	_ =	swait.ge [sflag:s23], $0x1  }
0xa3: {  	[sflag:s23] =	ssyncset.done $0x0  }
0xa4: {  	s25 =	simm.s32 $0x1B8E;
	s24 =	sld [smem:$0x3FFE];
	[sflag:s23] =	ssyncadd.s32 $0xFFFFFFFF  }
0xa5: {  	s26 =	simm.s32 $execute0_lowered;
	[smem:$0x3FD2] =	sst s25  }
0xa6: {  	s5 =	sshll.u32 s26, $0x1;
	_ =	strace $0x80000046;
	[dreg:$0x1] =	wrdreg $0xFFFFFFFF  }
0xa7: {  	s28 =	simm.s32 $_size_execute0_lowered;
	s3 =	sadd.s32 s3, s5;
	[dreg:$0x0] =	wrdreg $0x0  }
0xa8: {  	s5 =	sshll.u32 s28, $0x1;
	[dreg:$0x2] =	wrdreg s3  }
0xa9: {  	[dreg:$0x3] =	wrdreg s5  }
0xaa: {  	[dreg:$0x4] =	wrdreg $0xC0  }
0xab: {  	_ =	task [dreg:s7], $0x5FFFF  }
0xac: {  	[dreg:$0x1] =	wrdreg $0xFFFFFFFF  }
0xad: {  	[dreg:$0x0] =	wrdreg $0x60  }
0xae: {  	[dreg:$0x2] =	wrdreg s2  }
0xaf: {  	[dreg:$0x3] =	wrdreg s24  }
0xb0: {  	[dreg:$0x4] =	wrdreg $0x70000  }
0xb1: {  	[dreg:$0x5] =	wrdreg $0x9  }
0xb2: {  	_ =	task.clear_ibuf [dreg:s7], $0x6FFFF;
	_ =	strace $0x90000046  }
0xb3: {  	s29 =	simm.s32 $0x9;
	_ =	strace $0x80000048  }
0xb4: {  	_ =	swait.ge [sflag:s29], $0x1  }
0xb5: {  	[sflag:s29] =	ssyncadd.s32 $0xFFFFFFFF  }
0xb6: {  	_ =	strace $0x90000048  }
0xb7: {  	_ =	sfence  }
0xb8: {  	s30 =	sld [smem:$0x0];
	_ =	sdelay $0x2  }
0xb9: {  	s31 =	sshll.u32 s1, $0xD;
	s1 =	sshrl.u32 s1, $0x2  }
0xba: {  	s3 =	sand.u32 $0x4000, s31;
	s1 =	sadd.s32 s1, s30  }
0xbb: {  	s0 =	sor.u32 s3, s0;
	s1 =	sshll.u32 s1, $0x11  }
0xbc: {  	s0 =	sor.u32 s1, s0  }
0xbd: {  	s0 =	sadd.s32 $0x8F2B, s0  }
0xbe: {  	[sflag:s0] =	ssyncadd.remote.s32 $0x1  }
0xbf: {  	_ =	sfence.sel $0xFFFF  }
0xc0: {  	[dreg:$0x0] =	wrdreg $0xFFFFFFFF;
	(pc) =	sbr.abs _section_cstart, $3  }
0xc1: {  	[dreg:$0x1] =	wrdreg $0xFFFFFFFF  }
0xc2: {  	_ =	task.clear_ibuf [dreg:s7], $0x2FFFF;
	_ =	strace $0x9FFFFFFF  }
0xc3: {  	(tm) =	ssettm $0x7FFFFFFF  }
tec
execute0_lowered:
.L_overlay_start_1:
0x0: {  	(tag) =	ssettag $0x1  }
0x1: {  	s5 =	rddreg [dreg:$0x0]  }
0x2: {  	s4 =	rddreg [dreg:$0x1]  }
0x3: {  	s1 =	rddreg [dreg:$0x2]  }
0x4: {  	s2 =	srdreg.scid;
	s0 =	rddreg [dreg:$0x3]  }
0x5: {  	s3 =	simm.s32 $0x0;
	s6 =	sand.u32 $0x1, s2;
	s2 =	stileid.u32  }
0x6: {  	[smem:$0x7FF] =	sst s3;
	s7 =	smul.u32 $0x140000, s6  }
0x7: {  	s11 =	simm.s32 $0x2800;
	s8 =	smul.u32 $0x14000, s2;
	_ =	strace $0x80000047  }
0x8: {  	s9 =	sshll.u32 s2, $0x1;
	s30 =	smul.u32 $0x50000, s2;
	s12 =	sshll.u32 s2, $0x6  }
0x9: {  	s29 =	sor.u32 s6, s9;
	s6 =	ssub.s32 $0x2, s6;
	s12 =	sor.u32 $0x1C01, s12  }
0xa: {  	s7 =	sadd.s32 s8, s7;
	s8 =	smul.u32 $0x500, s29;
	s31 =	sshrl.u32 s6, $0x1  }
0xb: {  	s9 =	sshrl.u32 s30, $0x2;
	s7 =	sshrl.u32 s7, $0x3;
	s10 =	ssub.s32 s6, s31  }
0xc: {  	s7 =	sadd.s32 s7, s4;
	s4 =	sadd.s32 s9, s1;
	s5 =	sadd.s32 s5, s8  }
0xd: {  	s8 =	simm.s32 $0x6800;
	s9 =	simm.s32 $0x1;
	s6 =	sadd.s32 $0xCE00, s7  }
0xe: {  	v0 =	vimm.f32 $1.000000000e+00;
	v1 =	vimm.f32 $0.0e+00;
	s7 =	smax.u32 s10, $0x1;
	s10 =	simm.s32 $0x80;
	s13 =	sshrl.u32 s4, $0x3  }
.LBB2_1:
0xf: {  	s14 =	simm.s32 $0x200;
	s15 =	simm.s32 $0x0  }
.LBB2_2:
0x10: {  	p0 =	sne.s32 s14, $0xFE00;
	[tilespmem:s15+$0x2800] =	vst v0;
	s15 =	smov.u32 s14;
	s14 =	sadd.s32 $0x200, s14  }
.Ltmp0:
0x11: {  	(pc) =	sbr.rel @p0 .LBB2_2-.Ltmp0, $2  }
0x12: {  	_ =	sdelay $0x2  }
0x13: {  	s15 =	sshra.s32 s15, $0x2  }
0x14: {  	[tilespmem:s15+$0x2800] =	vst v0  }
0x15: {  	[tilespmem:$0x6800] =	vst v1  }
0x16: {  	[tilespmem:$0x6880] =	vst v1  }
0x17: {  	[tilespmem:$0x6900] =	vst v1  }
0x18: {  	[tilespmem:$0x6980] =	vst v1  }
0x19: {  	[tilespmem:$0x6A00] =	vst v1  }
0x1a: {  	[tilespmem:$0x6A80] =	vst v1  }
0x1b: {  	[tilespmem:$0x6B00] =	vst v1  }
0x1c: {  	[tilespmem:$0x6B80] =	vst v1  }
0x1d: {  	[tilespmem:$0x6C00] =	vst v1  }
0x1e: {  	[tilespmem:$0x6C80] =	vst v1  }
0x1f: {  	[tilespmem:$0x6D00] =	vst v1  }
0x20: {  	[tilespmem:$0x6D80] =	vst v1  }
0x21: {  	[tilespmem:$0x6E00] =	vst v1  }
0x22: {  	[tilespmem:$0x6E80] =	vst v1  }
0x23: {  	[tilespmem:$0x6F00] =	vst v1  }
0x24: {  	s14 =	sadd.s32 $0x0, s4;
	[tilespmem:$0x6F80] =	vst v1  }
0x25: {  	[spmem:s14] =	stream.linear.scatter [tilespmem:s8], [sflag:$0x1], $0x800, $0x38;
	[tilespmem:$0x9800] =	vst v63  }
0x26: {  	s14 =	simm.s32 $0x2000;
	_ =	swait.ge [sflag:s9], $0x800  }
.LBB2_4:
0x27: {  	s15 =	sshra.s32 s14, $0x2;
	[sflag:s9] =	ssyncset.done $0x0;
	p0 =	sne.s32 s14, $0x4E000  }
.Ltmp1:
0x28: {  	s15 =	sadd.s32 s15, s4;
	[sflag:s9] =	ssyncadd.s32 $0xFFFFF800;
	(pc) =	sbr.rel @p0 .LBB2_4-.Ltmp1, $3  }
0x29: {  	[spmem:s15] =	stream.linear.scatter [tilespmem:s8], [sflag:$0x1], $0x800, $0x38;
	[tilespmem:$0x9800] =	vst v63  }
0x2a: {  	s14 =	sadd.s32 $0x2000, s14;
	_ =	sdelay $0x1  }
0x2b: {  	_ =	swait.ge [sflag:s9], $0x800  }
0x2c: {  	[sflag:s9] =	ssyncset.done $0x0  }
0x2d: {  	s14 =	simm.s32 $0x0;
	[sflag:s9] =	ssyncadd.s32 $0xFFFFF800  }
0x2e: {  	[tilespmem:s14], [sflag:$0x1] =	stream.linear.gather [hbm4b:s5+s14], $0x2800, $0x38;
	[tilespmem:$0x9800] =	vst v63  }
0x2f: {  	_ =	swait.ge [sflag:s9], $0x2800  }
0x30: {  	[sflag:s9] =	ssyncset.done $0x0  }
0x31: {  	[sflag:s9] =	ssyncadd.s32 $0xFFFFD800  }
0x32: {  	s31 =	simm.s32 $0x0;
	[bflag:$0x0] =	sbarrier.arrive $0xFFFF  }
0x33: {  	[spmem:s1] =	stream.indirect.scatter.add.f32 [tilespmem:s11], [sflag:$0x1], $0x10, s31, s10, $0xb8;
	[tilespmem:$0x9800] =	vst v63  }
0x34: {  	_ =	swait.ge [sflag:s9], $0x800  }
0x35: {  	s14 =	simm.s32 $0x200;
	[sflag:s9] =	ssyncset.done $0x0  }
.LBB2_6:
0x36: {  	s15 =	sshra.s32 s14, $0x2;
	[sflag:s9] =	ssyncadd.s32 $0xFFFFF800;
	p0 =	sne.s32 s14, $0x9E00  }
0x37: {  	[spmem:s1] =	stream.indirect.scatter.add.f32 [tilespmem:s11], [sflag:$0x1], $0x10, s15, s10, $0xb8;
	[tilespmem:$0x9800] =	vst v63  }
.Ltmp2:
0x38: {  	_ = 	snop;
	(pc) =	sbr.rel @p0 .LBB2_6-.Ltmp2, $4  }
0x39: {  	_ = 	snop  }
0x3a: {  	s14 =	sadd.s32 $0x200, s14  }
0x3b: {  	_ =	swait.ge [sflag:s9], $0x800  }
0x3c: {  	[sflag:s9] =	ssyncset.done $0x0  }
0x3d: {  	s3 =	sadd.s32 $0x1, s3  }
0x3e: {  	[sflag:s9] =	ssyncadd.s32 $0xFFFFF800;
	p0 =	sne.s32 s3, s7  }
.Ltmp3:
0x3f: {  	[bflag:$0x0] =	sbarrier.arrive $0xFFFF;
	(pc) =	sbr.rel @p0 .LBB2_1-.Ltmp3, $4  }
0x40: {  	[hbm:s6], [sflag:s12] =	dma.local [spmem:s13], $0x2800  }
0x41: {  	_ =	swait.ge [sflag:s9], $0x2800  }
0x42: {  	[sflag:s9] =	ssyncset.done $0x0  }
0x43: {  	[sflag:s9] =	ssyncadd.s32 $0xFFFFD800  }
0x44: {  	_ =	sfence.sel $0x180000  }
0x45: {  	[bflag:$0x0] =	sbarrier.arrive $0xFFFF  }
0x46: {  	p0 =	sne.s32 s2, $0x0;
	_ =	strace $0x90000047  }
0x47: {  	s0 =	sadd.s32 @!p0 $0x100000, s0;
	[bflag:$0x2] =	sbarrier.arrive $0xFFFF  }
0x48: {  	[sflag:s0] =	ssyncadd.tile.s32 @!p0 $0x1;
	_ =	shalt  }
.Lfunc_end2:
_tile_overlayer_lowered:
.L_overlay_start_2:
0x49: {  	(tag) =	ssettag $0x2  }
0x4a: {  	s0 =	rddreg [dreg:$0x0];
	s2 =	stileid.u32  }
0x4b: {  	s1 =	rddreg [dreg:$0x1];
	p0 =	sne.s32 s2, $0x0  }
0x4c: {  	s3 =	rddreg [dreg:$0x2];
	[bflag:$0x3] =	sbarrier.arrive $0xFFFF;
	s2 =	simm.s32 @!p0 $0x1C01  }
0x4d: {  	[timem:s3], [sflag:s2] =	dma.local @!p0 [hbm:s0], s1  }
0x4e: {  	s0 =	simm.s32 @!p0 $0x1  }
0x4f: {  	_ =	swait.ge @!p0 [sflag:s0], s1  }
0x50: {  	s1 =	ssub.s32 @!p0 $0x0, s1;
	[sflag:s0] =	ssyncset.done @!p0 $0x0  }
0x51: {  	[sflag:s0] =	ssyncadd.s32 @!p0 s1  }
0x52: {  	[bflag:$0x3] =	sbarrier.arrive $0xFFFF  }
0x53: {  	_ =	shalt  }

</sc_bundles>
